<compile_context>
chip_gen: v7x
topology: tpu7x:2x2x1
jax: 0.10.2.dev20260603
libtpu: 0.0.44.dev20260713+nightly
codegen_flags: <defaults>
</compile_context>

<pallas_src>
import functools

import jax
import jax.numpy as jnp
from jax import lax
from jax.experimental import pallas as pl
from jax.experimental.pallas import tpu as pltpu
from jax.experimental.pallas import tpu_sc as plsc

N = 10000
NNZ = 320000
E = 20000
IN = 128
H = 8
C = 16
HC = H * C
NEG_SLOPE = 0.2

NC = 2
NS = 16
CH = 80

EH = E // NC
TRASH = EH
AROWS = 10240
CBASE = AROWS
CROWS = 1280
TOTA = AROWS + CROWS
TPB = 624

EPACK = E // 8

VH = N // NC
VTRASH = VH
DBASE = 5120
TOTB = 2 * DBASE
VPB = 312

_mesh = plsc.VectorSubcoreMesh(core_axis_name="c", subcore_axis_name="s")


def _mm_body(x_ref, w_ref, o_ref):
    o_ref[...] = jnp.dot(x_ref[...], w_ref[...],
                         preferred_element_type=jnp.float32)


def _matmul(X, W):
    return pl.pallas_call(
        _mm_body,
        grid=(10,),
        in_specs=[
            pl.BlockSpec((N // 10, IN), lambda i: (i, 0)),
            pl.BlockSpec((IN, HC), lambda i: (0, 0)),
        ],
        out_specs=pl.BlockSpec((N // 10, HC), lambda i: (i, 0)),
        out_shape=jax.ShapeDtypeStruct((N, HC), jnp.float32),
    )(X, W)


@functools.partial(
    pl.kernel,
    out_type=(jax.ShapeDtypeStruct((E, HC), jnp.float32),
              jax.ShapeDtypeStruct((NC * CROWS, HC), jnp.float32)),
    mesh=_mesh,
    scratch_types=[
        pltpu.VMEM((CH,), jnp.int32),
        pltpu.VMEM((CH,), jnp.int32),
        pltpu.VMEM((CH,), jnp.int32),
        pltpu.VMEM((CH,), jnp.int32),
        pltpu.VMEM((CH, HC), jnp.float32),
        pltpu.VMEM((CH, HC), jnp.float32),
        pltpu.VMEM_SHARED((TOTA, HC), jnp.float32),
        pltpu.SemaphoreType.DMA,
    ],
)
def _pass_a(xh_hbm, vtx_hbm, edg_hbm, po_hbm, xesum_hbm, cnt_hbm,
            vid_v, eloc_v, ecc_v, pix_v, rows_v, pbuf_v, acc_sh, sem):
    c = lax.axis_index("c")
    s = lax.axis_index("s")
    lo = c * EH

    z16 = jnp.zeros((16,), jnp.float32)

    def _zb(i, _):
        for j in range(HC // 16):
            rows_v[i, pl.ds(j * 16, 16)] = z16
        return 0
    lax.fori_loop(0, CH, _zb, 0)

    zbase = s * (TOTA // NS)
    def _za(k, _):
        pltpu.sync_copy(rows_v, acc_sh.at[pl.ds(zbase + k * CH, CH)])
        return 0
    lax.fori_loop(0, (TOTA // NS) // CH, _za, 0)

    plsc.subcore_barrier()

    share = NNZ // NS
    base_i = s * share

    def _chunk(k, _):
        off = base_i + k * CH
        pltpu.sync_copy(vtx_hbm.at[pl.ds(off, CH)], vid_v)
        pltpu.sync_copy(edg_hbm.at[pl.ds(off, CH)], eloc_v)
        for j in range(CH // 16):
            e = eloc_v[pl.ds(j * 16, 16)]
            le = e - lo
            ok = (le >= 0) & (le < EH)
            le = jnp.where(ok, le, TRASH)
            eloc_v[pl.ds(j * 16, 16)] = le
            ecc_v[pl.ds(j * 16, 16)] = CBASE + (le >> 3)
            pix_v[pl.ds(j * 16, 16)] = le & 7
        pltpu.async_copy(xh_hbm.at[vid_v], rows_v, sem).wait()
        pltpu.sync_copy(rows_v, acc_sh.at[eloc_v], add=True)
        pltpu.async_copy(po_hbm.at[pix_v], pbuf_v, sem).wait()
        pltpu.sync_copy(pbuf_v, acc_sh.at[ecc_v], add=True)
        return 0
    lax.fori_loop(0, share // CH, _chunk, 0)

    plsc.subcore_barrier()

    ob = s * TPB
    pltpu.sync_copy(acc_sh.at[pl.ds(ob, TPB)],
                    xesum_hbm.at[pl.ds(lo + ob, TPB)])

    @pl.when(s == 0)
    def _():
        pltpu.sync_copy(acc_sh.at[pl.ds(NS * TPB, EH - NS * TPB)],
                        xesum_hbm.at[pl.ds(lo + NS * TPB, EH - NS * TPB)])

    pltpu.sync_copy(acc_sh.at[pl.ds(CBASE + s * CH, CH)],
                    cnt_hbm.at[pl.ds(c * CROWS + s * CH, CH)])


_EB = 2000


def _k3a_body(xesum_ref, cnt_ref, a_ref, xe_ref, k_ref, kacc):
    i = pl.program_id(0)
    cnt = jnp.broadcast_to(jnp.maximum(cnt_ref[...], 1.0), (_EB, HC))
    xe = xesum_ref[...] / cnt
    xe_ref[...] = xe
    alpha = jnp.dot(xe, a_ref[...], preferred_element_type=jnp.float32)
    al = jnp.where(alpha >= 0, alpha, NEG_SLOPE * alpha)
    bmax = jnp.max(al, axis=0, keepdims=True)

    @pl.when(i == 0)
    def _():
        kacc[...] = bmax

    @pl.when(i > 0)
    def _():
        kacc[...] = jnp.maximum(kacc[...], bmax)

    k_ref[...] = kacc[...]


def _k3a(Xe_sum, cnt_e, A):
    return pl.pallas_call(
        _k3a_body,
        grid=(E // _EB,),
        in_specs=[
            pl.BlockSpec((_EB, HC), lambda i: (i, 0)),
            pl.BlockSpec((_EB, 1), lambda i: (i, 0)),
            pl.BlockSpec((HC, H), lambda i: (0, 0)),
        ],
        out_specs=[
            pl.BlockSpec((_EB, HC), lambda i: (i, 0)),
            pl.BlockSpec((1, H), lambda i: (0, 0)),
        ],
        out_shape=[
            jax.ShapeDtypeStruct((E, HC), jnp.float32),
            jax.ShapeDtypeStruct((1, H), jnp.float32),
        ],
        scratch_shapes=[pltpu.VMEM((1, H), jnp.float32)],
    )(Xe_sum, cnt_e, A)


def _k3b_body(xe_ref, a_ref, k_ref, t_ref, g_ref):
    xe = xe_ref[...]
    alpha = jnp.dot(xe, a_ref[...], preferred_element_type=jnp.float32)
    al = jnp.where(alpha >= 0, alpha, NEG_SLOPE * alpha)
    g = jnp.exp(al - k_ref[...])
    gexp = jnp.broadcast_to(g[:, :, None], (_EB, H, C)).reshape(_EB, HC)
    t_ref[...] = xe * gexp
    g_ref[...] = gexp


def _k3b(Xe, A, K):
    return pl.pallas_call(
        _k3b_body,
        grid=(E // _EB,),
        in_specs=[
            pl.BlockSpec((_EB, HC), lambda i: (i, 0)),
            pl.BlockSpec((HC, H), lambda i: (0, 0)),
            pl.BlockSpec((1, H), lambda i: (0, 0)),
        ],
        out_specs=[
            pl.BlockSpec((_EB, HC), lambda i: (i, 0)),
            pl.BlockSpec((_EB, HC), lambda i: (i, 0)),
        ],
        out_shape=[
            jax.ShapeDtypeStruct((E, HC), jnp.float32),
            jax.ShapeDtypeStruct((E, HC), jnp.float32),
        ],
    )(Xe, A, K)


@functools.partial(
    pl.kernel,
    out_type=(jax.ShapeDtypeStruct((N, HC), jnp.float32),
              jax.ShapeDtypeStruct((N, HC), jnp.float32)),
    mesh=_mesh,
    scratch_types=[
        pltpu.VMEM((CH,), jnp.int32),
        pltpu.VMEM((CH,), jnp.int32),
        pltpu.VMEM((CH,), jnp.int32),
        pltpu.VMEM((CH, HC), jnp.float32),
        pltpu.VMEM((CH, HC), jnp.float32),
        pltpu.VMEM_SHARED((TOTB, HC), jnp.float32),
        pltpu.SemaphoreType.DMA,
    ],
)
def _pass_b(t_hbm, g_hbm, vtx_hbm, edg_hbm, p_hbm, s_hbm,
            eid_v, vid_v, dcc_v, trows_v, grows_v, acc_sh, sem):
    c = lax.axis_index("c")
    s = lax.axis_index("s")
    lo = c * VH

    z16 = jnp.zeros((16,), jnp.float32)

    def _zb(i, _):
        for j in range(HC // 16):
            trows_v[i, pl.ds(j * 16, 16)] = z16
        return 0
    lax.fori_loop(0, CH, _zb, 0)

    zbase = s * (TOTB // NS)
    def _za(k, _):
        pltpu.sync_copy(trows_v, acc_sh.at[pl.ds(zbase + k * CH, CH)])
        return 0
    lax.fori_loop(0, (TOTB // NS) // CH, _za, 0)

    plsc.subcore_barrier()

    share = NNZ // NS
    base_i = s * share

    def _chunk(k, _):
        off = base_i + k * CH
        pltpu.sync_copy(edg_hbm.at[pl.ds(off, CH)], eid_v)
        pltpu.sync_copy(vtx_hbm.at[pl.ds(off, CH)], vid_v)
        for j in range(CH // 16):
            v = vid_v[pl.ds(j * 16, 16)]
            lv = v - lo
            ok = (lv >= 0) & (lv < VH)
            lv = jnp.where(ok, lv, VTRASH)
            vid_v[pl.ds(j * 16, 16)] = lv
            dcc_v[pl.ds(j * 16, 16)] = DBASE + lv
        pltpu.async_copy(t_hbm.at[eid_v], trows_v, sem).wait()
        pltpu.sync_copy(trows_v, acc_sh.at[vid_v], add=True)
        pltpu.async_copy(g_hbm.at[eid_v], grows_v, sem).wait()
        pltpu.sync_copy(grows_v, acc_sh.at[dcc_v], add=True)
        return 0
    lax.fori_loop(0, share // CH, _chunk, 0)

    plsc.subcore_barrier()

    ob = s * VPB
    pltpu.sync_copy(acc_sh.at[pl.ds(ob, VPB)],
                    p_hbm.at[pl.ds(lo + ob, VPB)])
    pltpu.sync_copy(acc_sh.at[pl.ds(DBASE + ob, VPB)],
                    s_hbm.at[pl.ds(lo + ob, VPB)])

    @pl.when(s == 0)
    def _():
        pltpu.sync_copy(acc_sh.at[pl.ds(NS * VPB, VH - NS * VPB)],
                        p_hbm.at[pl.ds(lo + NS * VPB, VH - NS * VPB)])
        pltpu.sync_copy(acc_sh.at[pl.ds(DBASE + NS * VPB, VH - NS * VPB)],
                        s_hbm.at[pl.ds(lo + NS * VPB, VH - NS * VPB)])


_NB = 2000


def _k5_body(p_ref, s_ref, o_ref):
    xv = p_ref[...] / (s_ref[...] + 1e-16)
    o_ref[...] = xv * 0.5 * (1.0 + lax.erf(xv * (2.0 ** -0.5)))


def _k5(P, S):
    return pl.pallas_call(
        _k5_body,
        grid=(N // _NB,),
        in_specs=[
            pl.BlockSpec((_NB, HC), lambda i: (i, 0)),
            pl.BlockSpec((_NB, HC), lambda i: (i, 0)),
        ],
        out_specs=pl.BlockSpec((_NB, HC), lambda i: (i, 0)),
        out_shape=jax.ShapeDtypeStruct((N, HC), jnp.float32),
    )(P, S)


def kernel(X, vertex, edges, W, att_e):
    Xh = _matmul(X, W)
    pones = jnp.zeros((8, HC), jnp.float32).at[
        jnp.arange(8), jnp.arange(8) * 16].set(1.0)
    Xe_sum, cntp = _pass_a(Xh, vertex, edges, pones)
    att = att_e.reshape(H, C)
    A = (jnp.eye(H, dtype=jnp.float32)[:, None, :] * att[:, :, None]
         ).reshape(HC, H)
    cntp2 = jnp.concatenate([cntp[0:EPACK // 2], cntp[CROWS:CROWS + EPACK // 2]])
    cnt_e = cntp2.reshape(EPACK, 8, 16)[:, :, 0].reshape(E, 1)
    Xe, K = _k3a(Xe_sum, cnt_e, A)
    T, G = _k3b(Xe, A, K)
    P, S = _pass_b(T, G, vertex, edges)
    return _k5(P, S)

# --- scband reference (transcript-rebuilt; emitter-appended) ---
"""Pipeline reference for scband-uni-gatconv-82128364634688 (READ-ONLY COPY).

The authoritative reference and input builder live on the scoring server;
editing this copy changes nothing except your own understanding.
"""

import jax, jax.numpy as jnp
import numpy as np

N = 10000
NNZ = 320000
E = 20000
IN = 128
H = 8
C = 16
NEG_SLOPE = 0.2


def setup_inputs(seed: int = 0) -> dict:
    key = jax.random.key(seed)
    k1, k2, k3, k4, k5 = jax.random.split(key, 5)
    X = jax.random.normal(k1, (N, IN), dtype=jnp.float32)
    vertex = jax.random.randint(k2, (NNZ,), 0, N, dtype=jnp.int32)
    edges = jax.random.randint(k3, (NNZ,), 0, E, dtype=jnp.int32)
    # Linear W: in_channels -> heads*out_channels (no bias). Kaiming-uniform-ish init.
    bound_w = 1.0 / np.sqrt(IN)
    W = jax.random.uniform(k4, (IN, H * C), dtype=jnp.float32, minval=-bound_w, maxval=bound_w)
    # att_e: glorot uniform over last two dims (H, C)
    stdv = np.sqrt(6.0 / (H + C))
    att_e = jax.random.uniform(k5, (1, H, C), dtype=jnp.float32, minval=-stdv, maxval=stdv)
    return {"X": X, "vertex": vertex, "edges": edges, "W": W, "att_e": att_e}


def reference(X, vertex, edges, W, att_e):
    # X0 = self.W(X)
    X0 = X @ W  # [N, H*C]
    Xh = X0.reshape(N, H, C)
    # Xve = X[vertex]
    Xve = Xh[vertex]  # [NNZ, H, C]
    # Xe = scatter(Xve, edges, reduce='mean') over hyperedges
    Xe_sum = jax.ops.segment_sum(Xve, edges, num_segments=E)
    cnt = jax.ops.segment_sum(jnp.ones((NNZ,), dtype=jnp.float32), edges, num_segments=E)
    Xe = Xe_sum / jnp.clip(cnt, 1.0, None)[:, None, None]  # [E, H, C]
    # attention logits per hyperedge
    alpha_e = (Xe * att_e).sum(-1)  # [E, H]
    a_ev = alpha_e[edges]  # [NNZ, H]
    alpha = jnp.where(a_ev >= 0, a_ev, NEG_SLOPE * a_ev)  # leaky_relu
    # softmax over incidences grouped by vertex
    alpha_max = jax.ops.segment_max(alpha, vertex, num_segments=N)[vertex]
    alpha_exp = jnp.exp(alpha - alpha_max)
    alpha_sum = jax.ops.segment_sum(alpha_exp, vertex, num_segments=N)[vertex]
    alpha_n = alpha_exp / (alpha_sum + 1e-16)  # [NNZ, H] (dropout p=0.0 -> identity)
    alpha_n = alpha_n[:, :, None]
    Xev = Xe[edges] * alpha_n  # [NNZ, H, C]
    Xv = jax.ops.segment_sum(Xev, vertex, num_segments=N)  # [N, H, C]
    Xout = Xv.reshape(N, H * C)
    Xout = jax.nn.gelu(Xout, approximate=False)
    # use_norm=False, skip_sum=False
    return Xout

if __name__ == "__main__":
    import jax
    _d = setup_inputs()
    print(jax.jit(kernel)(*tuple(_d.values())))

</pallas_src>

<mosaic_0001>
#map = affine_map<(d0, d1) -> (0, 0)>
#map1 = affine_map<(d0, d1) -> (0)>
module attributes {stable_mosaic.version = 14 : i64} {
  func.func @_pass_b(%arg0: i32, %arg1: i32, %arg2: memref<20000x128xf32, #tpu.memory_space<hbm>>, %arg3: memref<20000x128xf32, #tpu.memory_space<hbm>>, %arg4: memref<320000xi32, #tpu.memory_space<hbm>>, %arg5: memref<320000xi32, #tpu.memory_space<hbm>>, %arg6: memref<10000x128xf32, #tpu.memory_space<hbm>>, %arg7: memref<10000x128xf32, #tpu.memory_space<hbm>>, %arg8: memref<80xi32, #tpu.memory_space<vmem>>, %arg9: memref<80xi32, #tpu.memory_space<vmem>>, %arg10: memref<80xi32, #tpu.memory_space<vmem>>, %arg11: memref<80x128xf32, #tpu.memory_space<vmem>>, %arg12: memref<80x128xf32, #tpu.memory_space<vmem>>, %arg13: memref<10240x128xf32, #tpu.memory_space<vmem_shared>>, %arg14: memref<!tpu.dma_semaphore, #tpu.memory_space<semaphore_mem>>) attributes {dimension_semantics = [#tpu.dimension_semantics<core_parallel>, #tpu.dimension_semantics<subcore_parallel>], iteration_bounds = array<i64: 2, 16>, scalar_prefetch = 0 : i64, scratch_operands = 7 : i64, tpu.core_type = #tpu.core_type<sc_vector_subcore>, window_params = [{transform_indices = #map}, {transform_indices = #map}, {transform_indices = #map1}, {transform_indices = #map1}, {transform_indices = #map}, {transform_indices = #map}]} {
    %mul3A = arith.constant 5000 : i32
    %mul3A_0 = arith.muli %arg0, %mul3A : i32
    %broadcast_in_dim3A = arith.constant 0.000000e+00 : f32
    %broadcast_in_dim3A_1 = vector.broadcast %broadcast_in_dim3A : f32 to vector<16xf32>
    %scan3A = arith.constant 0 : i32
    %scan3A_2 = arith.constant 0 : i32
    %scan3A_3 = arith.constant 80 : i32
    %scan3A_4 = arith.addi %scan3A_2, %scan3A_3 : i32
    %scan3A_5 = arith.constant 1 : i32
    %scan3A_6 = scf.for %scan3A_34 = %scan3A_2 to %scan3A_4 step %scan3A_5 iter_args(%scan3A_35 = %scan3A) -> (i32)  : i32 {
      %swap3A = arith.index_cast %scan3A_34 : i32 to index
      %swap3A_36 = arith.constant 0 : index
      %swap3A_37 = tpu.vector_load %arg11[%swap3A, %swap3A_36] {strides = array<i32>} : memref<80x128xf32, #tpu.memory_space<vmem>>, vector<1x16xf32>,
      %swap3A_38 = vector.shape_cast %swap3A_37 : vector<1x16xf32> to vector<16xf32>
      %swap3A_39 = vector.shape_cast %broadcast_in_dim3A_1 : vector<16xf32> to vector<1x16xf32>
      tpu.vector_store %arg11[%swap3A, %swap3A_36], %swap3A_39 {strides = array<i32>} : memref<80x128xf32, #tpu.memory_space<vmem>>, vector<1x16xf32>,
      %swap3A_40 = arith.index_cast %scan3A_34 : i32 to index
      %swap3A_41 = arith.constant 16 : index
      %swap3A_42 = tpu.vector_load %arg11[%swap3A_40, %swap3A_41] {strides = array<i32>} : memref<80x128xf32, #tpu.memory_space<vmem>>, vector<1x16xf32>,
      %swap3A_43 = vector.shape_cast %swap3A_42 : vector<1x16xf32> to vector<16xf32>
      %swap3A_44 = vector.shape_cast %broadcast_in_dim3A_1 : vector<16xf32> to vector<1x16xf32>
      tpu.vector_store %arg11[%swap3A_40, %swap3A_41], %swap3A_44 {strides = array<i32>} : memref<80x128xf32, #tpu.memory_space<vmem>>, vector<1x16xf32>,
      %swap3A_45 = arith.index_cast %scan3A_34 : i32 to index
      %swap3A_46 = arith.constant 32 : index
      %swap3A_47 = tpu.vector_load %arg11[%swap3A_45, %swap3A_46] {strides = array<i32>} : memref<80x128xf32, #tpu.memory_space<vmem>>, vector<1x16xf32>,
      %swap3A_48 = vector.shape_cast %swap3A_47 : vector<1x16xf32> to vector<16xf32>
      %swap3A_49 = vector.shape_cast %broadcast_in_dim3A_1 : vector<16xf32> to vector<1x16xf32>
      tpu.vector_store %arg11[%swap3A_45, %swap3A_46], %swap3A_49 {strides = array<i32>} : memref<80x128xf32, #tpu.memory_space<vmem>>, vector<1x16xf32>,
      %swap3A_50 = arith.index_cast %scan3A_34 : i32 to index
      %swap3A_51 = arith.constant 48 : index
      %swap3A_52 = tpu.vector_load %arg11[%swap3A_50, %swap3A_51] {strides = array<i32>} : memref<80x128xf32, #tpu.memory_space<vmem>>, vector<1x16xf32>,
      %swap3A_53 = vector.shape_cast %swap3A_52 : vector<1x16xf32> to vector<16xf32>
      %swap3A_54 = vector.shape_cast %broadcast_in_dim3A_1 : vector<16xf32> to vector<1x16xf32>
      tpu.vector_store %arg11[%swap3A_50, %swap3A_51], %swap3A_54 {strides = array<i32>} : memref<80x128xf32, #tpu.memory_space<vmem>>, vector<1x16xf32>,
      %swap3A_55 = arith.index_cast %scan3A_34 : i32 to index
      %swap3A_56 = arith.constant 64 : index
      %swap3A_57 = tpu.vector_load %arg11[%swap3A_55, %swap3A_56] {strides = array<i32>} : memref<80x128xf32, #tpu.memory_space<vmem>>, vector<1x16xf32>,
      %swap3A_58 = vector.shape_cast %swap3A_57 : vector<1x16xf32> to vector<16xf32>
      %swap3A_59 = vector.shape_cast %broadcast_in_dim3A_1 : vector<16xf32> to vector<1x16xf32>
      tpu.vector_store %arg11[%swap3A_55, %swap3A_56], %swap3A_59 {strides = array<i32>} : memref<80x128xf32, #tpu.memory_space<vmem>>, vector<1x16xf32>,
      %swap3A_60 = arith.index_cast %scan3A_34 : i32 to index
      %swap3A_61 = arith.constant 80 : index
      %swap3A_62 = tpu.vector_load %arg11[%swap3A_60, %swap3A_61] {strides = array<i32>} : memref<80x128xf32, #tpu.memory_space<vmem>>, vector<1x16xf32>,
      %swap3A_63 = vector.shape_cast %swap3A_62 : vector<1x16xf32> to vector<16xf32>
      %swap3A_64 = vector.shape_cast %broadcast_in_dim3A_1 : vector<16xf32> to vector<1x16xf32>
      tpu.vector_store %arg11[%swap3A_60, %swap3A_61], %swap3A_64 {strides = array<i32>} : memref<80x128xf32, #tpu.memory_space<vmem>>, vector<1x16xf32>,
      %swap3A_65 = arith.index_cast %scan3A_34 : i32 to index
      %swap3A_66 = arith.constant 96 : index
      %swap3A_67 = tpu.vector_load %arg11[%swap3A_65, %swap3A_66] {strides = array<i32>} : memref<80x128xf32, #tpu.memory_space<vmem>>, vector<1x16xf32>,
      %swap3A_68 = vector.shape_cast %swap3A_67 : vector<1x16xf32> to vector<16xf32>
      %swap3A_69 = vector.shape_cast %broadcast_in_dim3A_1 : vector<16xf32> to vector<1x16xf32>
      tpu.vector_store %arg11[%swap3A_65, %swap3A_66], %swap3A_69 {strides = array<i32>} : memref<80x128xf32, #tpu.memory_space<vmem>>, vector<1x16xf32>,
      %swap3A_70 = arith.index_cast %scan3A_34 : i32 to index
      %swap3A_71 = arith.constant 112 : index
      %swap3A_72 = tpu.vector_load %arg11[%swap3A_70, %swap3A_71] {strides = array<i32>} : memref<80x128xf32, #tpu.memory_space<vmem>>, vector<1x16xf32>,
      %swap3A_73 = vector.shape_cast %swap3A_72 : vector<1x16xf32> to vector<16xf32>
      %swap3A_74 = vector.shape_cast %broadcast_in_dim3A_1 : vector<16xf32> to vector<1x16xf32>
      tpu.vector_store %arg11[%swap3A_70, %swap3A_71], %swap3A_74 {strides = array<i32>} : memref<80x128xf32, #tpu.memory_space<vmem>>, vector<1x16xf32>,
      %scan3A_75 = arith.constant 0 : i32
      scf.yield %scan3A_75 : i32
    }
    %scan3A_7 = arith.constant 80 : i32
    %mul3A_8 = arith.constant 640 : i32
    %mul3A_9 = arith.muli %arg1, %mul3A_8 : i32
    %scan3A_10 = arith.constant 0 : i32
    %scan3A_11 = arith.constant 0 : i32
    %scan3A_12 = arith.constant 8 : i32
    %scan3A_13 = arith.addi %scan3A_11, %scan3A_12 : i32
    %scan3A_14 = arith.constant 1 : i32
    %scan3A_15 = scf.for %scan3A_34 = %scan3A_11 to %scan3A_13 step %scan3A_14 iter_args(%scan3A_35 = %scan3A_10) -> (i32)  : i32 {
      %mul3A_36 = arith.constant 80 : i32
      %mul3A_37 = arith.muli %scan3A_34, %mul3A_36 : i32
      %add3A_38 = arith.addi %mul3A_9, %mul3A_37 : i32
      "tpu.region"() ({
        %run_scoped3A = tpu.sem_alloc : memref<!tpu.dma_semaphore, #tpu.memory_space<semaphore_mem>>
        %dma_start3A = arith.constant 0 : i32
        %dma_start3A_40 = tpu.memref_slice %arg13[%add3A_38, %dma_start3A] : memref<10240x128xf32, #tpu.memory_space<vmem_shared>> -> memref<80x128xf32, #tpu.memory_space<vmem_shared>>
        %dma_start3A_41 = arith.constant 0 : i32
        %dma_start3A_42 = tpu.memref_slice %arg13[%add3A_38, %dma_start3A_41] : memref<10240x128xf32, #tpu.memory_space<vmem_shared>> -> memref<80x128xf32, #tpu.memory_space<vmem_shared>>
        tpu.enqueue_dma source(%arg11 : memref<80x128xf32, #tpu.memory_space<vmem>>) target(%dma_start3A_42 : memref<80x128xf32, #tpu.memory_space<vmem_shared>>) target_semaphore(%run_scoped3A : memref<!tpu.dma_semaphore, #tpu.memory_space<semaphore_mem>>)
        %dma_wait3A = arith.constant 0 : i32
        %dma_wait3A_43 = tpu.memref_slice %arg13[%add3A_38, %dma_wait3A] : memref<10240x128xf32, #tpu.memory_space<vmem_shared>> -> memref<80x128xf32, #tpu.memory_space<vmem_shared>>
        %dma_wait3A_44 = arith.constant 0 : i32
        %dma_wait3A_45 = tpu.memref_slice %arg13[%add3A_38, %dma_wait3A_44] : memref<10240x128xf32, #tpu.memory_space<vmem_shared>> -> memref<80x128xf32, #tpu.memory_space<vmem_shared>>
        tpu.wait_dma2 semaphore(%run_scoped3A : memref<!tpu.dma_semaphore, #tpu.memory_space<semaphore_mem>>) src(%arg11 : memref<80x128xf32, #tpu.memory_space<vmem>>) dst(%dma_wait3A_45 : memref<80x128xf32, #tpu.memory_space<vmem_shared>>)
        tpu.yield
      }) : () -> ()
      %scan3A_39 = arith.constant 0 : i32
      scf.yield %scan3A_39 : i32
    }
    %scan3A_16 = arith.constant 8 : i32
    %barrier3A = arith.constant 0 : index
    tpu.barrier barrier_id(%barrier3A)
    %mul3A_17 = arith.constant 20000 : i32
    %mul3A_18 = arith.muli %arg1, %mul3A_17 : i32
    %scan3A_19 = arith.constant 0 : i32
    %scan3A_20 = arith.constant 0 : i32
    %scan3A_21 = arith.constant 250 : i32
    %scan3A_22 = arith.addi %scan3A_20, %scan3A_21 : i32
    %scan3A_23 = arith.constant 1 : i32
    %scan3A_24 = scf.for %scan3A_34 = %scan3A_20 to %scan3A_22 step %scan3A_23 iter_args(%scan3A_35 = %scan3A_19) -> (i32)  : i32 {
      %mul3A_36 = arith.constant 80 : i32
      %mul3A_37 = arith.muli %scan3A_34, %mul3A_36 : i32
      %add3A_38 = arith.addi %mul3A_18, %mul3A_37 : i32
      "tpu.region"() ({
        %run_scoped3A = tpu.sem_alloc : memref<!tpu.dma_semaphore, #tpu.memory_space<semaphore_mem>>
        %dma_start3A_172 = tpu.memref_slice %arg5[%add3A_38] : memref<320000xi32, #tpu.memory_space<hbm>> -> memref<80xi32, #tpu.memory_space<hbm>>
        %dma_start3A_173 = tpu.memref_slice %arg5[%add3A_38] : memref<320000xi32, #tpu.memory_space<hbm>> -> memref<80xi32, #tpu.memory_space<hbm>>
        tpu.enqueue_dma source(%dma_start3A_173 : memref<80xi32, #tpu.memory_space<hbm>>) target(%arg8 : memref<80xi32, #tpu.memory_space<vmem>>) target_semaphore(%run_scoped3A : memref<!tpu.dma_semaphore, #tpu.memory_space<semaphore_mem>>)
        %dma_wait3A_174 = tpu.memref_slice %arg5[%add3A_38] : memref<320000xi32, #tpu.memory_space<hbm>> -> memref<80xi32, #tpu.memory_space<hbm>>
        %dma_wait3A_175 = tpu.memref_slice %arg5[%add3A_38] : memref<320000xi32, #tpu.memory_space<hbm>> -> memref<80xi32, #tpu.memory_space<hbm>>
        tpu.wait_dma2 semaphore(%run_scoped3A : memref<!tpu.dma_semaphore, #tpu.memory_space<semaphore_mem>>) src(%dma_wait3A_175 : memref<80xi32, #tpu.memory_space<hbm>>) dst(%arg8 : memref<80xi32, #tpu.memory_space<vmem>>)
        tpu.yield
      }) : () -> ()
      "tpu.region"() ({
        %run_scoped3A = tpu.sem_alloc : memref<!tpu.dma_semaphore, #tpu.memory_space<semaphore_mem>>
        %dma_start3A_172 = tpu.memref_slice %arg4[%add3A_38] : memref<320000xi32, #tpu.memory_space<hbm>> -> memref<80xi32, #tpu.memory_space<hbm>>
        %dma_start3A_173 = tpu.memref_slice %arg4[%add3A_38] : memref<320000xi32, #tpu.memory_space<hbm>> -> memref<80xi32, #tpu.memory_space<hbm>>
        tpu.enqueue_dma source(%dma_start3A_173 : memref<80xi32, #tpu.memory_space<hbm>>) target(%arg9 : memref<80xi32, #tpu.memory_space<vmem>>) target_semaphore(%run_scoped3A : memref<!tpu.dma_semaphore, #tpu.memory_space<semaphore_mem>>)
        %dma_wait3A_174 = tpu.memref_slice %arg4[%add3A_38] : memref<320000xi32, #tpu.memory_space<hbm>> -> memref<80xi32, #tpu.memory_space<hbm>>
        %dma_wait3A_175 = tpu.memref_slice %arg4[%add3A_38] : memref<320000xi32, #tpu.memory_space<hbm>> -> memref<80xi32, #tpu.memory_space<hbm>>
        tpu.wait_dma2 semaphore(%run_scoped3A : memref<!tpu.dma_semaphore, #tpu.memory_space<semaphore_mem>>) src(%dma_wait3A_175 : memref<80xi32, #tpu.memory_space<hbm>>) dst(%arg9 : memref<80xi32, #tpu.memory_space<vmem>>)
        tpu.yield
      }) : () -> ()
      %get3A = arith.constant 0 : index
      %get3A_39 = tpu.vector_load %arg9[%get3A] {strides = array<i32>} : memref<80xi32, #tpu.memory_space<vmem>>, vector<16xi32>,
      %get3A_40 = vector.shape_cast %get3A_39 : vector<16xi32> to vector<16xi32>
      %sub3A = vector.broadcast %mul3A_0 : i32 to vector<16xi32>
      %sub3A_41 = arith.subi %get3A_40, %sub3A : vector<16xi32>
      %ge3A = arith.constant 0 : i32
      %ge3A_42 = vector.broadcast %ge3A : i32 to vector<16xi32>
      %ge3A_43 = arith.cmpi sge, %sub3A_41, %ge3A_42 : vector<16xi32>
      %lt3A = arith.constant 5000 : i32
      %lt3A_44 = vector.broadcast %lt3A : i32 to vector<16xi32>
      %lt3A_45 = arith.cmpi slt, %sub3A_41, %lt3A_44 : vector<16xi32>
      %and3A = arith.andi %ge3A_43, %lt3A_45 : vector<16xi1>
      %jit3A = arith.constant 5000 : i32
      %broadcast_in_dim3A_46 = vector.broadcast %jit3A : i32 to vector<16xi32>
      %select_n3A = arith.select %and3A, %sub3A_41, %broadcast_in_dim3A_46 : vector<16xi1>, vector<16xi32>
      %swap3A = arith.constant 0 : index
      %swap3A_47 = tpu.vector_load %arg9[%swap3A] {strides = array<i32>} : memref<80xi32, #tpu.memory_space<vmem>>, vector<16xi32>,
      %swap3A_48 = vector.shape_cast %swap3A_47 : vector<16xi32> to vector<16xi32>
      %swap3A_49 = vector.shape_cast %select_n3A : vector<16xi32> to vector<16xi32>
      tpu.vector_store %arg9[%swap3A], %swap3A_49 {strides = array<i32>} : memref<80xi32, #tpu.memory_space<vmem>>, vector<16xi32>,
      %add3A_50 = arith.constant 5120 : i32
      %add3A_51 = vector.broadcast %add3A_50 : i32 to vector<16xi32>
      %add3A_52 = arith.addi %add3A_51, %select_n3A : vector<16xi32>
      %swap3A_53 = arith.constant 0 : index
      %swap3A_54 = tpu.vector_load %arg10[%swap3A_53] {strides = array<i32>} : memref<80xi32, #tpu.memory_space<vmem>>, vector<16xi32>,
      %swap3A_55 = vector.shape_cast %swap3A_54 : vector<16xi32> to vector<16xi32>
      %swap3A_56 = vector.shape_cast %add3A_52 : vector<16xi32> to vector<16xi32>
      tpu.vector_store %arg10[%swap3A_53], %swap3A_56 {strides = array<i32>} : memref<80xi32, #tpu.memory_space<vmem>>, vector<16xi32>,
      %get3A_57 = arith.constant 16 : index
      %get3A_58 = tpu.vector_load %arg9[%get3A_57] {strides = array<i32>} : memref<80xi32, #tpu.memory_space<vmem>>, vector<16xi32>,
      %get3A_59 = vector.shape_cast %get3A_58 : vector<16xi32> to vector<16xi32>
      %sub3A_60 = vector.broadcast %mul3A_0 : i32 to vector<16xi32>
      %sub3A_61 = arith.subi %get3A_59, %sub3A_60 : vector<16xi32>
      %ge3A_62 = arith.constant 0 : i32
      %ge3A_63 = vector.broadcast %ge3A_62 : i32 to vector<16xi32>
      %ge3A_64 = arith.cmpi sge, %sub3A_61, %ge3A_63 : vector<16xi32>
      %lt3A_65 = arith.constant 5000 : i32
      %lt3A_66 = vector.broadcast %lt3A_65 : i32 to vector<16xi32>
      %lt3A_67 = arith.cmpi slt, %sub3A_61, %lt3A_66 : vector<16xi32>
      %and3A_68 = arith.andi %ge3A_64, %lt3A_67 : vector<16xi1>
      %jit3A_69 = arith.constant 5000 : i32
      %broadcast_in_dim3A_70 = vector.broadcast %jit3A_69 : i32 to vector<16xi32>
      %select_n3A_71 = arith.select %and3A_68, %sub3A_61, %broadcast_in_dim3A_70 : vector<16xi1>, vector<16xi32>
      %swap3A_72 = arith.constant 16 : index
      %swap3A_73 = tpu.vector_load %arg9[%swap3A_72] {strides = array<i32>} : memref<80xi32, #tpu.memory_space<vmem>>, vector<16xi32>,
      %swap3A_74 = vector.shape_cast %swap3A_73 : vector<16xi32> to vector<16xi32>
      %swap3A_75 = vector.shape_cast %select_n3A_71 : vector<16xi32> to vector<16xi32>
      tpu.vector_store %arg9[%swap3A_72], %swap3A_75 {strides = array<i32>} : memref<80xi32, #tpu.memory_space<vmem>>, vector<16xi32>,
      %add3A_76 = arith.constant 5120 : i32
      %add3A_77 = vector.broadcast %add3A_76 : i32 to vector<16xi32>
      %add3A_78 = arith.addi %add3A_77, %select_n3A_71 : vector<16xi32>
      %swap3A_79 = arith.constant 16 : index
      %swap3A_80 = tpu.vector_load %arg10[%swap3A_79] {strides = array<i32>} : memref<80xi32, #tpu.memory_space<vmem>>, vector<16xi32>,
      %swap3A_81 = vector.shape_cast %swap3A_80 : vector<16xi32> to vector<16xi32>
      %swap3A_82 = vector.shape_cast %add3A_78 : vector<16xi32> to vector<16xi32>
      tpu.vector_store %arg10[%swap3A_79], %swap3A_82 {strides = array<i32>} : memref<80xi32, #tpu.memory_space<vmem>>, vector<16xi32>,
      %get3A_83 = arith.constant 32 : index
      %get3A_84 = tpu.vector_load %arg9[%get3A_83] {strides = array<i32>} : memref<80xi32, #tpu.memory_space<vmem>>, vector<16xi32>,
      %get3A_85 = vector.shape_cast %get3A_84 : vector<16xi32> to vector<16xi32>
      %sub3A_86 = vector.broadcast %mul3A_0 : i32 to vector<16xi32>
      %sub3A_87 = arith.subi %get3A_85, %sub3A_86 : vector<16xi32>
      %ge3A_88 = arith.constant 0 : i32
      %ge3A_89 = vector.broadcast %ge3A_88 : i32 to vector<16xi32>
      %ge3A_90 = arith.cmpi sge, %sub3A_87, %ge3A_89 : vector<16xi32>
      %lt3A_91 = arith.constant 5000 : i32
      %lt3A_92 = vector.broadcast %lt3A_91 : i32 to vector<16xi32>
      %lt3A_93 = arith.cmpi slt, %sub3A_87, %lt3A_92 : vector<16xi32>
      %and3A_94 = arith.andi %ge3A_90, %lt3A_93 : vector<16xi1>
      %jit3A_95 = arith.constant 5000 : i32
      %broadcast_in_dim3A_96 = vector.broadcast %jit3A_95 : i32 to vector<16xi32>
      %select_n3A_97 = arith.select %and3A_94, %sub3A_87, %broadcast_in_dim3A_96 : vector<16xi1>, vector<16xi32>
      %swap3A_98 = arith.constant 32 : index
      %swap3A_99 = tpu.vector_load %arg9[%swap3A_98] {strides = array<i32>} : memref<80xi32, #tpu.memory_space<vmem>>, vector<16xi32>,
      %swap3A_100 = vector.shape_cast %swap3A_99 : vector<16xi32> to vector<16xi32>
      %swap3A_101 = vector.shape_cast %select_n3A_97 : vector<16xi32> to vector<16xi32>
      tpu.vector_store %arg9[%swap3A_98], %swap3A_101 {strides = array<i32>} : memref<80xi32, #tpu.memory_space<vmem>>, vector<16xi32>,
      %add3A_102 = arith.constant 5120 : i32
      %add3A_103 = vector.broadcast %add3A_102 : i32 to vector<16xi32>
      %add3A_104 = arith.addi %add3A_103, %select_n3A_97 : vector<16xi32>
      %swap3A_105 = arith.constant 32 : index
      %swap3A_106 = tpu.vector_load %arg10[%swap3A_105] {strides = array<i32>} : memref<80xi32, #tpu.memory_space<vmem>>, vector<16xi32>,
      %swap3A_107 = vector.shape_cast %swap3A_106 : vector<16xi32> to vector<16xi32>
      %swap3A_108 = vector.shape_cast %add3A_104 : vector<16xi32> to vector<16xi32>
      tpu.vector_store %arg10[%swap3A_105], %swap3A_108 {strides = array<i32>} : memref<80xi32, #tpu.memory_space<vmem>>, vector<16xi32>,
      %get3A_109 = arith.constant 48 : index
      %get3A_110 = tpu.vector_load %arg9[%get3A_109] {strides = array<i32>} : memref<80xi32, #tpu.memory_space<vmem>>, vector<16xi32>,
      %get3A_111 = vector.shape_cast %get3A_110 : vector<16xi32> to vector<16xi32>
      %sub3A_112 = vector.broadcast %mul3A_0 : i32 to vector<16xi32>
      %sub3A_113 = arith.subi %get3A_111, %sub3A_112 : vector<16xi32>
      %ge3A_114 = arith.constant 0 : i32
      %ge3A_115 = vector.broadcast %ge3A_114 : i32 to vector<16xi32>
      %ge3A_116 = arith.cmpi sge, %sub3A_113, %ge3A_115 : vector<16xi32>
      %lt3A_117 = arith.constant 5000 : i32
      %lt3A_118 = vector.broadcast %lt3A_117 : i32 to vector<16xi32>
      %lt3A_119 = arith.cmpi slt, %sub3A_113, %lt3A_118 : vector<16xi32>
      %and3A_120 = arith.andi %ge3A_116, %lt3A_119 : vector<16xi1>
      %jit3A_121 = arith.constant 5000 : i32
      %broadcast_in_dim3A_122 = vector.broadcast %jit3A_121 : i32 to vector<16xi32>
      %select_n3A_123 = arith.select %and3A_120, %sub3A_113, %broadcast_in_dim3A_122 : vector<16xi1>, vector<16xi32>
      %swap3A_124 = arith.constant 48 : index
      %swap3A_125 = tpu.vector_load %arg9[%swap3A_124] {strides = array<i32>} : memref<80xi32, #tpu.memory_space<vmem>>, vector<16xi32>,
      %swap3A_126 = vector.shape_cast %swap3A_125 : vector<16xi32> to vector<16xi32>
      %swap3A_127 = vector.shape_cast %select_n3A_123 : vector<16xi32> to vector<16xi32>
      tpu.vector_store %arg9[%swap3A_124], %swap3A_127 {strides = array<i32>} : memref<80xi32, #tpu.memory_space<vmem>>, vector<16xi32>,
      %add3A_128 = arith.constant 5120 : i32
      %add3A_129 = vector.broadcast %add3A_128 : i32 to vector<16xi32>
      %add3A_130 = arith.addi %add3A_129, %select_n3A_123 : vector<16xi32>
      %swap3A_131 = arith.constant 48 : index
      %swap3A_132 = tpu.vector_load %arg10[%swap3A_131] {strides = array<i32>} : memref<80xi32, #tpu.memory_space<vmem>>, vector<16xi32>,
      %swap3A_133 = vector.shape_cast %swap3A_132 : vector<16xi32> to vector<16xi32>
      %swap3A_134 = vector.shape_cast %add3A_130 : vector<16xi32> to vector<16xi32>
      tpu.vector_store %arg10[%swap3A_131], %swap3A_134 {strides = array<i32>} : memref<80xi32, #tpu.memory_space<vmem>>, vector<16xi32>,
      %get3A_135 = arith.constant 64 : index
      %get3A_136 = tpu.vector_load %arg9[%get3A_135] {strides = array<i32>} : memref<80xi32, #tpu.memory_space<vmem>>, vector<16xi32>,
      %get3A_137 = vector.shape_cast %get3A_136 : vector<16xi32> to vector<16xi32>
      %sub3A_138 = vector.broadcast %mul3A_0 : i32 to vector<16xi32>
      %sub3A_139 = arith.subi %get3A_137, %sub3A_138 : vector<16xi32>
      %ge3A_140 = arith.constant 0 : i32
      %ge3A_141 = vector.broadcast %ge3A_140 : i32 to vector<16xi32>
      %ge3A_142 = arith.cmpi sge, %sub3A_139, %ge3A_141 : vector<16xi32>
      %lt3A_143 = arith.constant 5000 : i32
      %lt3A_144 = vector.broadcast %lt3A_143 : i32 to vector<16xi32>
      %lt3A_145 = arith.cmpi slt, %sub3A_139, %lt3A_144 : vector<16xi32>
      %and3A_146 = arith.andi %ge3A_142, %lt3A_145 : vector<16xi1>
      %jit3A_147 = arith.constant 5000 : i32
      %broadcast_in_dim3A_148 = vector.broadcast %jit3A_147 : i32 to vector<16xi32>
      %select_n3A_149 = arith.select %and3A_146, %sub3A_139, %broadcast_in_dim3A_148 : vector<16xi1>, vector<16xi32>
      %swap3A_150 = arith.constant 64 : index
      %swap3A_151 = tpu.vector_load %arg9[%swap3A_150] {strides = array<i32>} : memref<80xi32, #tpu.memory_space<vmem>>, vector<16xi32>,
      %swap3A_152 = vector.shape_cast %swap3A_151 : vector<16xi32> to vector<16xi32>
      %swap3A_153 = vector.shape_cast %select_n3A_149 : vector<16xi32> to vector<16xi32>
      tpu.vector_store %arg9[%swap3A_150], %swap3A_153 {strides = array<i32>} : memref<80xi32, #tpu.memory_space<vmem>>, vector<16xi32>,
      %add3A_154 = arith.constant 5120 : i32
      %add3A_155 = vector.broadcast %add3A_154 : i32 to vector<16xi32>
      %add3A_156 = arith.addi %add3A_155, %select_n3A_149 : vector<16xi32>
      %swap3A_157 = arith.constant 64 : index
      %swap3A_158 = tpu.vector_load %arg10[%swap3A_157] {strides = array<i32>} : memref<80xi32, #tpu.memory_space<vmem>>, vector<16xi32>,
      %swap3A_159 = vector.shape_cast %swap3A_158 : vector<16xi32> to vector<16xi32>
      %swap3A_160 = vector.shape_cast %add3A_156 : vector<16xi32> to vector<16xi32>
      tpu.vector_store %arg10[%swap3A_157], %swap3A_160 {strides = array<i32>} : memref<80xi32, #tpu.memory_space<vmem>>, vector<16xi32>,
      %dma_start3A = arith.constant 0 : i32
      %dma_start3A_161 = arith.constant 0 : i32
      %dma_start3A_162 = tpu.memref_slice %arg2[%dma_start3A, %dma_start3A_161] : memref<20000x128xf32, #tpu.memory_space<hbm>> -> memref<20000x128xf32, #tpu.memory_space<hbm>>
      tpu.enqueue_indirect_dma source(%dma_start3A_162 : memref<20000x128xf32, #tpu.memory_space<hbm>>) target(%arg11 : memref<80x128xf32, #tpu.memory_space<vmem>>) offsets(%arg8 : memref<80xi32, #tpu.memory_space<vmem>>) semaphore(%arg14 : memref<!tpu.dma_semaphore, #tpu.memory_space<semaphore_mem>>)
      %dma_wait3A = arith.constant 0 : i32
      %dma_wait3A_163 = arith.constant 0 : i32
      %dma_wait3A_164 = tpu.memref_slice %arg2[%dma_wait3A, %dma_wait3A_163] : memref<20000x128xf32, #tpu.memory_space<hbm>> -> memref<20000x128xf32, #tpu.memory_space<hbm>>
      tpu.wait_indirect_dma semaphore(%arg14 : memref<!tpu.dma_semaphore, #tpu.memory_space<semaphore_mem>>) src(%dma_wait3A_164 : memref<20000x128xf32, #tpu.memory_space<hbm>>) dst(%arg11 : memref<80x128xf32, #tpu.memory_space<vmem>>)
      "tpu.region"() ({
        %run_scoped3A = tpu.sem_alloc : memref<!tpu.dma_semaphore, #tpu.memory_space<semaphore_mem>>
        %dma_start3A_172 = arith.constant 0 : i32
        %dma_start3A_173 = arith.constant 0 : i32
        %dma_start3A_174 = tpu.memref_slice %arg13[%dma_start3A_172, %dma_start3A_173] : memref<10240x128xf32, #tpu.memory_space<vmem_shared>> -> memref<10240x128xf32, #tpu.memory_space<vmem_shared>>
        tpu.enqueue_indirect_dma source(%arg11 : memref<80x128xf32, #tpu.memory_space<vmem>>) target(%dma_start3A_174 : memref<10240x128xf32, #tpu.memory_space<vmem_shared>>) offsets(%arg9 : memref<80xi32, #tpu.memory_space<vmem>>) semaphore(%run_scoped3A : memref<!tpu.dma_semaphore, #tpu.memory_space<semaphore_mem>>) {add = true}
        %dma_wait3A_175 = arith.constant 0 : i32
        %dma_wait3A_176 = arith.constant 0 : i32
        %dma_wait3A_177 = tpu.memref_slice %arg13[%dma_wait3A_175, %dma_wait3A_176] : memref<10240x128xf32, #tpu.memory_space<vmem_shared>> -> memref<10240x128xf32, #tpu.memory_space<vmem_shared>>
        tpu.wait_indirect_dma semaphore(%run_scoped3A : memref<!tpu.dma_semaphore, #tpu.memory_space<semaphore_mem>>) src(%arg11 : memref<80x128xf32, #tpu.memory_space<vmem>>) dst(%dma_wait3A_177 : memref<10240x128xf32, #tpu.memory_space<vmem_shared>>)
        tpu.yield
      }) : () -> ()
      %dma_start3A_165 = arith.constant 0 : i32
      %dma_start3A_166 = arith.constant 0 : i32
      %dma_start3A_167 = tpu.memref_slice %arg3[%dma_start3A_165, %dma_start3A_166] : memref<20000x128xf32, #tpu.memory_space<hbm>> -> memref<20000x128xf32, #tpu.memory_space<hbm>>
      tpu.enqueue_indirect_dma source(%dma_start3A_167 : memref<20000x128xf32, #tpu.memory_space<hbm>>) target(%arg12 : memref<80x128xf32, #tpu.memory_space<vmem>>) offsets(%arg8 : memref<80xi32, #tpu.memory_space<vmem>>) semaphore(%arg14 : memref<!tpu.dma_semaphore, #tpu.memory_space<semaphore_mem>>)
      %dma_wait3A_168 = arith.constant 0 : i32
      %dma_wait3A_169 = arith.constant 0 : i32
      %dma_wait3A_170 = tpu.memref_slice %arg3[%dma_wait3A_168, %dma_wait3A_169] : memref<20000x128xf32, #tpu.memory_space<hbm>> -> memref<20000x128xf32, #tpu.memory_space<hbm>>
      tpu.wait_indirect_dma semaphore(%arg14 : memref<!tpu.dma_semaphore, #tpu.memory_space<semaphore_mem>>) src(%dma_wait3A_170 : memref<20000x128xf32, #tpu.memory_space<hbm>>) dst(%arg12 : memref<80x128xf32, #tpu.memory_space<vmem>>)
      "tpu.region"() ({
        %run_scoped3A = tpu.sem_alloc : memref<!tpu.dma_semaphore, #tpu.memory_space<semaphore_mem>>
        %dma_start3A_172 = arith.constant 0 : i32
        %dma_start3A_173 = arith.constant 0 : i32
        %dma_start3A_174 = tpu.memref_slice %arg13[%dma_start3A_172, %dma_start3A_173] : memref<10240x128xf32, #tpu.memory_space<vmem_shared>> -> memref<10240x128xf32, #tpu.memory_space<vmem_shared>>
        tpu.enqueue_indirect_dma source(%arg12 : memref<80x128xf32, #tpu.memory_space<vmem>>) target(%dma_start3A_174 : memref<10240x128xf32, #tpu.memory_space<vmem_shared>>) offsets(%arg10 : memref<80xi32, #tpu.memory_space<vmem>>) semaphore(%run_scoped3A : memref<!tpu.dma_semaphore, #tpu.memory_space<semaphore_mem>>) {add = true}
        %dma_wait3A_175 = arith.constant 0 : i32
        %dma_wait3A_176 = arith.constant 0 : i32
        %dma_wait3A_177 = tpu.memref_slice %arg13[%dma_wait3A_175, %dma_wait3A_176] : memref<10240x128xf32, #tpu.memory_space<vmem_shared>> -> memref<10240x128xf32, #tpu.memory_space<vmem_shared>>
        tpu.wait_indirect_dma semaphore(%run_scoped3A : memref<!tpu.dma_semaphore, #tpu.memory_space<semaphore_mem>>) src(%arg12 : memref<80x128xf32, #tpu.memory_space<vmem>>) dst(%dma_wait3A_177 : memref<10240x128xf32, #tpu.memory_space<vmem_shared>>)
        tpu.yield
      }) : () -> ()
      %scan3A_171 = arith.constant 0 : i32
      scf.yield %scan3A_171 : i32
    }
    %scan3A_25 = arith.constant 250 : i32
    %barrier3A_26 = arith.constant 0 : index
    tpu.barrier barrier_id(%barrier3A_26)
    %mul3A_27 = arith.constant 312 : i32
    %mul3A_28 = arith.muli %arg1, %mul3A_27 : i32
    %add3A = arith.addi %mul3A_0, %mul3A_28 : i32
    "tpu.region"() ({
      %run_scoped3A = tpu.sem_alloc : memref<!tpu.dma_semaphore, #tpu.memory_space<semaphore_mem>>
      %dma_start3A = arith.constant 0 : i32
      %dma_start3A_34 = tpu.memref_slice %arg6[%add3A, %dma_start3A] : memref<10000x128xf32, #tpu.memory_space<hbm>> -> memref<312x128xf32, #tpu.memory_space<hbm>>
      %dma_start3A_35 = arith.constant 0 : i32
      %dma_start3A_36 = tpu.memref_slice %arg13[%mul3A_28, %dma_start3A_35] : memref<10240x128xf32, #tpu.memory_space<vmem_shared>> -> memref<312x128xf32, #tpu.memory_space<vmem_shared>>
      tpu.enqueue_dma source(%dma_start3A_36 : memref<312x128xf32, #tpu.memory_space<vmem_shared>>) target(%dma_start3A_34 : memref<312x128xf32, #tpu.memory_space<hbm>>) target_semaphore(%run_scoped3A : memref<!tpu.dma_semaphore, #tpu.memory_space<semaphore_mem>>)
      %dma_wait3A = arith.constant 0 : i32
      %dma_wait3A_37 = tpu.memref_slice %arg6[%add3A, %dma_wait3A] : memref<10000x128xf32, #tpu.memory_space<hbm>> -> memref<312x128xf32, #tpu.memory_space<hbm>>
      %dma_wait3A_38 = arith.constant 0 : i32
      %dma_wait3A_39 = tpu.memref_slice %arg13[%mul3A_28, %dma_wait3A_38] : memref<10240x128xf32, #tpu.memory_space<vmem_shared>> -> memref<312x128xf32, #tpu.memory_space<vmem_shared>>
      tpu.wait_dma2 semaphore(%run_scoped3A : memref<!tpu.dma_semaphore, #tpu.memory_space<semaphore_mem>>) src(%dma_wait3A_39 : memref<312x128xf32, #tpu.memory_space<vmem_shared>>) dst(%dma_wait3A_37 : memref<312x128xf32, #tpu.memory_space<hbm>>)
      tpu.yield
    }) : () -> ()
    %add3A_29 = arith.constant 5120 : i32
    %add3A_30 = arith.addi %add3A_29, %mul3A_28 : i32
    %add3A_31 = arith.addi %mul3A_0, %mul3A_28 : i32
    "tpu.region"() ({
      %run_scoped3A = tpu.sem_alloc : memref<!tpu.dma_semaphore, #tpu.memory_space<semaphore_mem>>
      %dma_start3A = arith.constant 0 : i32
      %dma_start3A_34 = tpu.memref_slice %arg7[%add3A_31, %dma_start3A] : memref<10000x128xf32, #tpu.memory_space<hbm>> -> memref<312x128xf32, #tpu.memory_space<hbm>>
      %dma_start3A_35 = arith.constant 0 : i32
      %dma_start3A_36 = tpu.memref_slice %arg13[%add3A_30, %dma_start3A_35] : memref<10240x128xf32, #tpu.memory_space<vmem_shared>> -> memref<312x128xf32, #tpu.memory_space<vmem_shared>>
      tpu.enqueue_dma source(%dma_start3A_36 : memref<312x128xf32, #tpu.memory_space<vmem_shared>>) target(%dma_start3A_34 : memref<312x128xf32, #tpu.memory_space<hbm>>) target_semaphore(%run_scoped3A : memref<!tpu.dma_semaphore, #tpu.memory_space<semaphore_mem>>)
      %dma_wait3A = arith.constant 0 : i32
      %dma_wait3A_37 = tpu.memref_slice %arg7[%add3A_31, %dma_wait3A] : memref<10000x128xf32, #tpu.memory_space<hbm>> -> memref<312x128xf32, #tpu.memory_space<hbm>>
      %dma_wait3A_38 = arith.constant 0 : i32
      %dma_wait3A_39 = tpu.memref_slice %arg13[%add3A_30, %dma_wait3A_38] : memref<10240x128xf32, #tpu.memory_space<vmem_shared>> -> memref<312x128xf32, #tpu.memory_space<vmem_shared>>
      tpu.wait_dma2 semaphore(%run_scoped3A : memref<!tpu.dma_semaphore, #tpu.memory_space<semaphore_mem>>) src(%dma_wait3A_39 : memref<312x128xf32, #tpu.memory_space<vmem_shared>>) dst(%dma_wait3A_37 : memref<312x128xf32, #tpu.memory_space<hbm>>)
      tpu.yield
    }) : () -> ()
    %eq3A = arith.constant 0 : i32
    %eq3A_32 = arith.cmpi eq, %arg1, %eq3A : i32
    %convert_element_type3A = arith.extui %eq3A_32 : i1 to i32
    %cond3A = arith.constant 0 : i32
    %cond3A_33 = arith.cmpi ne, %convert_element_type3A, %cond3A : i32
    scf.if %cond3A_33 {
      %add3A_34 = arith.constant 4992 : i32
      %add3A_35 = arith.addi %mul3A_0, %add3A_34 : i32
      "tpu.region"() ({
        %run_scoped3A = tpu.sem_alloc : memref<!tpu.dma_semaphore, #tpu.memory_space<semaphore_mem>>
        %dma_start3A = arith.constant 0 : i32
        %dma_start3A_38 = tpu.memref_slice %arg6[%add3A_35, %dma_start3A] : memref<10000x128xf32, #tpu.memory_space<hbm>> -> memref<8x128xf32, #tpu.memory_space<hbm>>
        %dma_start3A_39 = arith.constant 4992 : i32
        %dma_start3A_40 = arith.constant 0 : i32
        %dma_start3A_41 = tpu.memref_slice %arg13[%dma_start3A_39, %dma_start3A_40] : memref<10240x128xf32, #tpu.memory_space<vmem_shared>> -> memref<8x128xf32, #tpu.memory_space<vmem_shared>>
        tpu.enqueue_dma source(%dma_start3A_41 : memref<8x128xf32, #tpu.memory_space<vmem_shared>>) target(%dma_start3A_38 : memref<8x128xf32, #tpu.memory_space<hbm>>) target_semaphore(%run_scoped3A : memref<!tpu.dma_semaphore, #tpu.memory_space<semaphore_mem>>)
        %dma_wait3A = arith.constant 0 : i32
        %dma_wait3A_42 = tpu.memref_slice %arg6[%add3A_35, %dma_wait3A] : memref<10000x128xf32, #tpu.memory_space<hbm>> -> memref<8x128xf32, #tpu.memory_space<hbm>>
        %dma_wait3A_43 = arith.constant 4992 : i32
        %dma_wait3A_44 = arith.constant 0 : i32
        %dma_wait3A_45 = tpu.memref_slice %arg13[%dma_wait3A_43, %dma_wait3A_44] : memref<10240x128xf32, #tpu.memory_space<vmem_shared>> -> memref<8x128xf32, #tpu.memory_space<vmem_shared>>
        tpu.wait_dma2 semaphore(%run_scoped3A : memref<!tpu.dma_semaphore, #tpu.memory_space<semaphore_mem>>) src(%dma_wait3A_45 : memref<8x128xf32, #tpu.memory_space<vmem_shared>>) dst(%dma_wait3A_42 : memref<8x128xf32, #tpu.memory_space<hbm>>)
        tpu.yield
      }) : () -> ()
      %add3A_36 = arith.constant 4992 : i32
      %add3A_37 = arith.addi %mul3A_0, %add3A_36 : i32
      "tpu.region"() ({
        %run_scoped3A = tpu.sem_alloc : memref<!tpu.dma_semaphore, #tpu.memory_space<semaphore_mem>>
        %dma_start3A = arith.constant 0 : i32
        %dma_start3A_38 = tpu.memref_slice %arg7[%add3A_37, %dma_start3A] : memref<10000x128xf32, #tpu.memory_space<hbm>> -> memref<8x128xf32, #tpu.memory_space<hbm>>
        %dma_start3A_39 = arith.constant 10112 : i32
        %dma_start3A_40 = arith.constant 0 : i32
        %dma_start3A_41 = tpu.memref_slice %arg13[%dma_start3A_39, %dma_start3A_40] : memref<10240x128xf32, #tpu.memory_space<vmem_shared>> -> memref<8x128xf32, #tpu.memory_space<vmem_shared>>
        tpu.enqueue_dma source(%dma_start3A_41 : memref<8x128xf32, #tpu.memory_space<vmem_shared>>) target(%dma_start3A_38 : memref<8x128xf32, #tpu.memory_space<hbm>>) target_semaphore(%run_scoped3A : memref<!tpu.dma_semaphore, #tpu.memory_space<semaphore_mem>>)
        %dma_wait3A = arith.constant 0 : i32
        %dma_wait3A_42 = tpu.memref_slice %arg7[%add3A_37, %dma_wait3A] : memref<10000x128xf32, #tpu.memory_space<hbm>> -> memref<8x128xf32, #tpu.memory_space<hbm>>
        %dma_wait3A_43 = arith.constant 10112 : i32
        %dma_wait3A_44 = arith.constant 0 : i32
        %dma_wait3A_45 = tpu.memref_slice %arg13[%dma_wait3A_43, %dma_wait3A_44] : memref<10240x128xf32, #tpu.memory_space<vmem_shared>> -> memref<8x128xf32, #tpu.memory_space<vmem_shared>>
        tpu.wait_dma2 semaphore(%run_scoped3A : memref<!tpu.dma_semaphore, #tpu.memory_space<semaphore_mem>>) src(%dma_wait3A_45 : memref<8x128xf32, #tpu.memory_space<vmem_shared>>) dst(%dma_wait3A_42 : memref<8x128xf32, #tpu.memory_space<hbm>>)
        tpu.yield
      }) : () -> ()
    } else {
    }
    return
  }
}

#map = affine_map<(d0, d1) -> (0, 0)>
#map1 = affine_map<(d0, d1) -> (0)>
module attributes {stable_mosaic.version = 14 : i64} {
  func.func @_pass_a(%arg0: i32, %arg1: i32, %arg2: memref<10000x128xf32, #tpu.memory_space<hbm>>, %arg3: memref<320000xi32, #tpu.memory_space<hbm>>, %arg4: memref<320000xi32, #tpu.memory_space<hbm>>, %arg5: memref<8x128xf32, #tpu.memory_space<hbm>>, %arg6: memref<20000x128xf32, #tpu.memory_space<hbm>>, %arg7: memref<2560x128xf32, #tpu.memory_space<hbm>>, %arg8: memref<80xi32, #tpu.memory_space<vmem>>, %arg9: memref<80xi32, #tpu.memory_space<vmem>>, %arg10: memref<80xi32, #tpu.memory_space<vmem>>, %arg11: memref<80xi32, #tpu.memory_space<vmem>>, %arg12: memref<80x128xf32, #tpu.memory_space<vmem>>, %arg13: memref<80x128xf32, #tpu.memory_space<vmem>>, %arg14: memref<11520x128xf32, #tpu.memory_space<vmem_shared>>, %arg15: memref<!tpu.dma_semaphore, #tpu.memory_space<semaphore_mem>>) attributes {dimension_semantics = [#tpu.dimension_semantics<core_parallel>, #tpu.dimension_semantics<subcore_parallel>], iteration_bounds = array<i64: 2, 16>, scalar_prefetch = 0 : i64, scratch_operands = 8 : i64, tpu.core_type = #tpu.core_type<sc_vector_subcore>, window_params = [{transform_indices = #map}, {transform_indices = #map1}, {transform_indices = #map1}, {transform_indices = #map}, {transform_indices = #map}, {transform_indices = #map}]} {
    %mul3A = arith.constant 10000 : i32
    %mul3A_0 = arith.muli %arg0, %mul3A : i32
    %broadcast_in_dim3A = arith.constant 0.000000e+00 : f32
    %broadcast_in_dim3A_1 = vector.broadcast %broadcast_in_dim3A : f32 to vector<16xf32>
    %scan3A = arith.constant 0 : i32
    %scan3A_2 = arith.constant 0 : i32
    %scan3A_3 = arith.constant 80 : i32
    %scan3A_4 = arith.addi %scan3A_2, %scan3A_3 : i32
    %scan3A_5 = arith.constant 1 : i32
    %scan3A_6 = scf.for %scan3A_40 = %scan3A_2 to %scan3A_4 step %scan3A_5 iter_args(%scan3A_41 = %scan3A) -> (i32)  : i32 {
      %swap3A = arith.index_cast %scan3A_40 : i32 to index
      %swap3A_42 = arith.constant 0 : index
      %swap3A_43 = tpu.vector_load %arg12[%swap3A, %swap3A_42] {strides = array<i32>} : memref<80x128xf32, #tpu.memory_space<vmem>>, vector<1x16xf32>,
      %swap3A_44 = vector.shape_cast %swap3A_43 : vector<1x16xf32> to vector<16xf32>
      %swap3A_45 = vector.shape_cast %broadcast_in_dim3A_1 : vector<16xf32> to vector<1x16xf32>
      tpu.vector_store %arg12[%swap3A, %swap3A_42], %swap3A_45 {strides = array<i32>} : memref<80x128xf32, #tpu.memory_space<vmem>>, vector<1x16xf32>,
      %swap3A_46 = arith.index_cast %scan3A_40 : i32 to index
      %swap3A_47 = arith.constant 16 : index
      %swap3A_48 = tpu.vector_load %arg12[%swap3A_46, %swap3A_47] {strides = array<i32>} : memref<80x128xf32, #tpu.memory_space<vmem>>, vector<1x16xf32>,
      %swap3A_49 = vector.shape_cast %swap3A_48 : vector<1x16xf32> to vector<16xf32>
      %swap3A_50 = vector.shape_cast %broadcast_in_dim3A_1 : vector<16xf32> to vector<1x16xf32>
      tpu.vector_store %arg12[%swap3A_46, %swap3A_47], %swap3A_50 {strides = array<i32>} : memref<80x128xf32, #tpu.memory_space<vmem>>, vector<1x16xf32>,
      %swap3A_51 = arith.index_cast %scan3A_40 : i32 to index
      %swap3A_52 = arith.constant 32 : index
      %swap3A_53 = tpu.vector_load %arg12[%swap3A_51, %swap3A_52] {strides = array<i32>} : memref<80x128xf32, #tpu.memory_space<vmem>>, vector<1x16xf32>,
      %swap3A_54 = vector.shape_cast %swap3A_53 : vector<1x16xf32> to vector<16xf32>
      %swap3A_55 = vector.shape_cast %broadcast_in_dim3A_1 : vector<16xf32> to vector<1x16xf32>
      tpu.vector_store %arg12[%swap3A_51, %swap3A_52], %swap3A_55 {strides = array<i32>} : memref<80x128xf32, #tpu.memory_space<vmem>>, vector<1x16xf32>,
      %swap3A_56 = arith.index_cast %scan3A_40 : i32 to index
      %swap3A_57 = arith.constant 48 : index
      %swap3A_58 = tpu.vector_load %arg12[%swap3A_56, %swap3A_57] {strides = array<i32>} : memref<80x128xf32, #tpu.memory_space<vmem>>, vector<1x16xf32>,
      %swap3A_59 = vector.shape_cast %swap3A_58 : vector<1x16xf32> to vector<16xf32>
      %swap3A_60 = vector.shape_cast %broadcast_in_dim3A_1 : vector<16xf32> to vector<1x16xf32>
      tpu.vector_store %arg12[%swap3A_56, %swap3A_57], %swap3A_60 {strides = array<i32>} : memref<80x128xf32, #tpu.memory_space<vmem>>, vector<1x16xf32>,
      %swap3A_61 = arith.index_cast %scan3A_40 : i32 to index
      %swap3A_62 = arith.constant 64 : index
      %swap3A_63 = tpu.vector_load %arg12[%swap3A_61, %swap3A_62] {strides = array<i32>} : memref<80x128xf32, #tpu.memory_space<vmem>>, vector<1x16xf32>,
      %swap3A_64 = vector.shape_cast %swap3A_63 : vector<1x16xf32> to vector<16xf32>
      %swap3A_65 = vector.shape_cast %broadcast_in_dim3A_1 : vector<16xf32> to vector<1x16xf32>
      tpu.vector_store %arg12[%swap3A_61, %swap3A_62], %swap3A_65 {strides = array<i32>} : memref<80x128xf32, #tpu.memory_space<vmem>>, vector<1x16xf32>,
      %swap3A_66 = arith.index_cast %scan3A_40 : i32 to index
      %swap3A_67 = arith.constant 80 : index
      %swap3A_68 = tpu.vector_load %arg12[%swap3A_66, %swap3A_67] {strides = array<i32>} : memref<80x128xf32, #tpu.memory_space<vmem>>, vector<1x16xf32>,
      %swap3A_69 = vector.shape_cast %swap3A_68 : vector<1x16xf32> to vector<16xf32>
      %swap3A_70 = vector.shape_cast %broadcast_in_dim3A_1 : vector<16xf32> to vector<1x16xf32>
      tpu.vector_store %arg12[%swap3A_66, %swap3A_67], %swap3A_70 {strides = array<i32>} : memref<80x128xf32, #tpu.memory_space<vmem>>, vector<1x16xf32>,
      %swap3A_71 = arith.index_cast %scan3A_40 : i32 to index
      %swap3A_72 = arith.constant 96 : index
      %swap3A_73 = tpu.vector_load %arg12[%swap3A_71, %swap3A_72] {strides = array<i32>} : memref<80x128xf32, #tpu.memory_space<vmem>>, vector<1x16xf32>,
      %swap3A_74 = vector.shape_cast %swap3A_73 : vector<1x16xf32> to vector<16xf32>
      %swap3A_75 = vector.shape_cast %broadcast_in_dim3A_1 : vector<16xf32> to vector<1x16xf32>
      tpu.vector_store %arg12[%swap3A_71, %swap3A_72], %swap3A_75 {strides = array<i32>} : memref<80x128xf32, #tpu.memory_space<vmem>>, vector<1x16xf32>,
      %swap3A_76 = arith.index_cast %scan3A_40 : i32 to index
      %swap3A_77 = arith.constant 112 : index
      %swap3A_78 = tpu.vector_load %arg12[%swap3A_76, %swap3A_77] {strides = array<i32>} : memref<80x128xf32, #tpu.memory_space<vmem>>, vector<1x16xf32>,
      %swap3A_79 = vector.shape_cast %swap3A_78 : vector<1x16xf32> to vector<16xf32>
      %swap3A_80 = vector.shape_cast %broadcast_in_dim3A_1 : vector<16xf32> to vector<1x16xf32>
      tpu.vector_store %arg12[%swap3A_76, %swap3A_77], %swap3A_80 {strides = array<i32>} : memref<80x128xf32, #tpu.memory_space<vmem>>, vector<1x16xf32>,
      %scan3A_81 = arith.constant 0 : i32
      scf.yield %scan3A_81 : i32
    }
    %scan3A_7 = arith.constant 80 : i32
    %mul3A_8 = arith.constant 720 : i32
    %mul3A_9 = arith.muli %arg1, %mul3A_8 : i32
    %scan3A_10 = arith.constant 0 : i32
    %scan3A_11 = arith.constant 0 : i32
    %scan3A_12 = arith.constant 9 : i32
    %scan3A_13 = arith.addi %scan3A_11, %scan3A_12 : i32
    %scan3A_14 = arith.constant 1 : i32
    %scan3A_15 = scf.for %scan3A_40 = %scan3A_11 to %scan3A_13 step %scan3A_14 iter_args(%scan3A_41 = %scan3A_10) -> (i32)  : i32 {
      %mul3A_42 = arith.constant 80 : i32
      %mul3A_43 = arith.muli %scan3A_40, %mul3A_42 : i32
      %add3A_44 = arith.addi %mul3A_9, %mul3A_43 : i32
      "tpu.region"() ({
        %run_scoped3A = tpu.sem_alloc : memref<!tpu.dma_semaphore, #tpu.memory_space<semaphore_mem>>
        %dma_start3A = arith.constant 0 : i32
        %dma_start3A_46 = tpu.memref_slice %arg14[%add3A_44, %dma_start3A] : memref<11520x128xf32, #tpu.memory_space<vmem_shared>> -> memref<80x128xf32, #tpu.memory_space<vmem_shared>>
        %dma_start3A_47 = arith.constant 0 : i32
        %dma_start3A_48 = tpu.memref_slice %arg14[%add3A_44, %dma_start3A_47] : memref<11520x128xf32, #tpu.memory_space<vmem_shared>> -> memref<80x128xf32, #tpu.memory_space<vmem_shared>>
        tpu.enqueue_dma source(%arg12 : memref<80x128xf32, #tpu.memory_space<vmem>>) target(%dma_start3A_48 : memref<80x128xf32, #tpu.memory_space<vmem_shared>>) target_semaphore(%run_scoped3A : memref<!tpu.dma_semaphore, #tpu.memory_space<semaphore_mem>>)
        %dma_wait3A = arith.constant 0 : i32
        %dma_wait3A_49 = tpu.memref_slice %arg14[%add3A_44, %dma_wait3A] : memref<11520x128xf32, #tpu.memory_space<vmem_shared>> -> memref<80x128xf32, #tpu.memory_space<vmem_shared>>
        %dma_wait3A_50 = arith.constant 0 : i32
        %dma_wait3A_51 = tpu.memref_slice %arg14[%add3A_44, %dma_wait3A_50] : memref<11520x128xf32, #tpu.memory_space<vmem_shared>> -> memref<80x128xf32, #tpu.memory_space<vmem_shared>>
        tpu.wait_dma2 semaphore(%run_scoped3A : memref<!tpu.dma_semaphore, #tpu.memory_space<semaphore_mem>>) src(%arg12 : memref<80x128xf32, #tpu.memory_space<vmem>>) dst(%dma_wait3A_51 : memref<80x128xf32, #tpu.memory_space<vmem_shared>>)
        tpu.yield
      }) : () -> ()
      %scan3A_45 = arith.constant 0 : i32
      scf.yield %scan3A_45 : i32
    }
    %scan3A_16 = arith.constant 9 : i32
    %barrier3A = arith.constant 0 : index
    tpu.barrier barrier_id(%barrier3A)
    %mul3A_17 = arith.constant 20000 : i32
    %mul3A_18 = arith.muli %arg1, %mul3A_17 : i32
    %scan3A_19 = arith.constant 0 : i32
    %scan3A_20 = arith.constant 0 : i32
    %scan3A_21 = arith.constant 250 : i32
    %scan3A_22 = arith.addi %scan3A_20, %scan3A_21 : i32
    %scan3A_23 = arith.constant 1 : i32
    %scan3A_24 = scf.for %scan3A_40 = %scan3A_20 to %scan3A_22 step %scan3A_23 iter_args(%scan3A_41 = %scan3A_19) -> (i32)  : i32 {
      %mul3A_42 = arith.constant 80 : i32
      %mul3A_43 = arith.muli %scan3A_40, %mul3A_42 : i32
      %add3A_44 = arith.addi %mul3A_18, %mul3A_43 : i32
      "tpu.region"() ({
        %run_scoped3A = tpu.sem_alloc : memref<!tpu.dma_semaphore, #tpu.memory_space<semaphore_mem>>
        %dma_start3A_227 = tpu.memref_slice %arg3[%add3A_44] : memref<320000xi32, #tpu.memory_space<hbm>> -> memref<80xi32, #tpu.memory_space<hbm>>
        %dma_start3A_228 = tpu.memref_slice %arg3[%add3A_44] : memref<320000xi32, #tpu.memory_space<hbm>> -> memref<80xi32, #tpu.memory_space<hbm>>
        tpu.enqueue_dma source(%dma_start3A_228 : memref<80xi32, #tpu.memory_space<hbm>>) target(%arg8 : memref<80xi32, #tpu.memory_space<vmem>>) target_semaphore(%run_scoped3A : memref<!tpu.dma_semaphore, #tpu.memory_space<semaphore_mem>>)
        %dma_wait3A_229 = tpu.memref_slice %arg3[%add3A_44] : memref<320000xi32, #tpu.memory_space<hbm>> -> memref<80xi32, #tpu.memory_space<hbm>>
        %dma_wait3A_230 = tpu.memref_slice %arg3[%add3A_44] : memref<320000xi32, #tpu.memory_space<hbm>> -> memref<80xi32, #tpu.memory_space<hbm>>
        tpu.wait_dma2 semaphore(%run_scoped3A : memref<!tpu.dma_semaphore, #tpu.memory_space<semaphore_mem>>) src(%dma_wait3A_230 : memref<80xi32, #tpu.memory_space<hbm>>) dst(%arg8 : memref<80xi32, #tpu.memory_space<vmem>>)
        tpu.yield
      }) : () -> ()
      "tpu.region"() ({
        %run_scoped3A = tpu.sem_alloc : memref<!tpu.dma_semaphore, #tpu.memory_space<semaphore_mem>>
        %dma_start3A_227 = tpu.memref_slice %arg4[%add3A_44] : memref<320000xi32, #tpu.memory_space<hbm>> -> memref<80xi32, #tpu.memory_space<hbm>>
        %dma_start3A_228 = tpu.memref_slice %arg4[%add3A_44] : memref<320000xi32, #tpu.memory_space<hbm>> -> memref<80xi32, #tpu.memory_space<hbm>>
        tpu.enqueue_dma source(%dma_start3A_228 : memref<80xi32, #tpu.memory_space<hbm>>) target(%arg9 : memref<80xi32, #tpu.memory_space<vmem>>) target_semaphore(%run_scoped3A : memref<!tpu.dma_semaphore, #tpu.memory_space<semaphore_mem>>)
        %dma_wait3A_229 = tpu.memref_slice %arg4[%add3A_44] : memref<320000xi32, #tpu.memory_space<hbm>> -> memref<80xi32, #tpu.memory_space<hbm>>
        %dma_wait3A_230 = tpu.memref_slice %arg4[%add3A_44] : memref<320000xi32, #tpu.memory_space<hbm>> -> memref<80xi32, #tpu.memory_space<hbm>>
        tpu.wait_dma2 semaphore(%run_scoped3A : memref<!tpu.dma_semaphore, #tpu.memory_space<semaphore_mem>>) src(%dma_wait3A_230 : memref<80xi32, #tpu.memory_space<hbm>>) dst(%arg9 : memref<80xi32, #tpu.memory_space<vmem>>)
        tpu.yield
      }) : () -> ()
      %get3A = arith.constant 0 : index
      %get3A_45 = tpu.vector_load %arg9[%get3A] {strides = array<i32>} : memref<80xi32, #tpu.memory_space<vmem>>, vector<16xi32>,
      %get3A_46 = vector.shape_cast %get3A_45 : vector<16xi32> to vector<16xi32>
      %sub3A = vector.broadcast %mul3A_0 : i32 to vector<16xi32>
      %sub3A_47 = arith.subi %get3A_46, %sub3A : vector<16xi32>
      %ge3A = arith.constant 0 : i32
      %ge3A_48 = vector.broadcast %ge3A : i32 to vector<16xi32>
      %ge3A_49 = arith.cmpi sge, %sub3A_47, %ge3A_48 : vector<16xi32>
      %lt3A = arith.constant 10000 : i32
      %lt3A_50 = vector.broadcast %lt3A : i32 to vector<16xi32>
      %lt3A_51 = arith.cmpi slt, %sub3A_47, %lt3A_50 : vector<16xi32>
      %and3A = arith.andi %ge3A_49, %lt3A_51 : vector<16xi1>
      %jit3A = arith.constant 10000 : i32
      %broadcast_in_dim3A_52 = vector.broadcast %jit3A : i32 to vector<16xi32>
      %select_n3A = arith.select %and3A, %sub3A_47, %broadcast_in_dim3A_52 : vector<16xi1>, vector<16xi32>
      %swap3A = arith.constant 0 : index
      %swap3A_53 = tpu.vector_load %arg9[%swap3A] {strides = array<i32>} : memref<80xi32, #tpu.memory_space<vmem>>, vector<16xi32>,
      %swap3A_54 = vector.shape_cast %swap3A_53 : vector<16xi32> to vector<16xi32>
      %swap3A_55 = vector.shape_cast %select_n3A : vector<16xi32> to vector<16xi32>
      tpu.vector_store %arg9[%swap3A], %swap3A_55 {strides = array<i32>} : memref<80xi32, #tpu.memory_space<vmem>>, vector<16xi32>,
      %shift_right_arithmetic3A = arith.constant 3 : i32
      %shift_right_arithmetic3A_56 = vector.broadcast %shift_right_arithmetic3A : i32 to vector<16xi32>
      %shift_right_arithmetic3A_57 = arith.shrsi %select_n3A, %shift_right_arithmetic3A_56 : vector<16xi32>
      %add3A_58 = arith.constant 10240 : i32
      %add3A_59 = vector.broadcast %add3A_58 : i32 to vector<16xi32>
      %add3A_60 = arith.addi %add3A_59, %shift_right_arithmetic3A_57 : vector<16xi32>
      %swap3A_61 = arith.constant 0 : index
      %swap3A_62 = tpu.vector_load %arg10[%swap3A_61] {strides = array<i32>} : memref<80xi32, #tpu.memory_space<vmem>>, vector<16xi32>,
      %swap3A_63 = vector.shape_cast %swap3A_62 : vector<16xi32> to vector<16xi32>
      %swap3A_64 = vector.shape_cast %add3A_60 : vector<16xi32> to vector<16xi32>
      tpu.vector_store %arg10[%swap3A_61], %swap3A_64 {strides = array<i32>} : memref<80xi32, #tpu.memory_space<vmem>>, vector<16xi32>,
      %and3A_65 = arith.constant 7 : i32
      %and3A_66 = vector.broadcast %and3A_65 : i32 to vector<16xi32>
      %and3A_67 = arith.andi %select_n3A, %and3A_66 : vector<16xi32>
      %swap3A_68 = arith.constant 0 : index
      %swap3A_69 = tpu.vector_load %arg11[%swap3A_68] {strides = array<i32>} : memref<80xi32, #tpu.memory_space<vmem>>, vector<16xi32>,
      %swap3A_70 = vector.shape_cast %swap3A_69 : vector<16xi32> to vector<16xi32>
      %swap3A_71 = vector.shape_cast %and3A_67 : vector<16xi32> to vector<16xi32>
      tpu.vector_store %arg11[%swap3A_68], %swap3A_71 {strides = array<i32>} : memref<80xi32, #tpu.memory_space<vmem>>, vector<16xi32>,
      %get3A_72 = arith.constant 16 : index
      %get3A_73 = tpu.vector_load %arg9[%get3A_72] {strides = array<i32>} : memref<80xi32, #tpu.memory_space<vmem>>, vector<16xi32>,
      %get3A_74 = vector.shape_cast %get3A_73 : vector<16xi32> to vector<16xi32>
      %sub3A_75 = vector.broadcast %mul3A_0 : i32 to vector<16xi32>
      %sub3A_76 = arith.subi %get3A_74, %sub3A_75 : vector<16xi32>
      %ge3A_77 = arith.constant 0 : i32
      %ge3A_78 = vector.broadcast %ge3A_77 : i32 to vector<16xi32>
      %ge3A_79 = arith.cmpi sge, %sub3A_76, %ge3A_78 : vector<16xi32>
      %lt3A_80 = arith.constant 10000 : i32
      %lt3A_81 = vector.broadcast %lt3A_80 : i32 to vector<16xi32>
      %lt3A_82 = arith.cmpi slt, %sub3A_76, %lt3A_81 : vector<16xi32>
      %and3A_83 = arith.andi %ge3A_79, %lt3A_82 : vector<16xi1>
      %jit3A_84 = arith.constant 10000 : i32
      %broadcast_in_dim3A_85 = vector.broadcast %jit3A_84 : i32 to vector<16xi32>
      %select_n3A_86 = arith.select %and3A_83, %sub3A_76, %broadcast_in_dim3A_85 : vector<16xi1>, vector<16xi32>
      %swap3A_87 = arith.constant 16 : index
      %swap3A_88 = tpu.vector_load %arg9[%swap3A_87] {strides = array<i32>} : memref<80xi32, #tpu.memory_space<vmem>>, vector<16xi32>,
      %swap3A_89 = vector.shape_cast %swap3A_88 : vector<16xi32> to vector<16xi32>
      %swap3A_90 = vector.shape_cast %select_n3A_86 : vector<16xi32> to vector<16xi32>
      tpu.vector_store %arg9[%swap3A_87], %swap3A_90 {strides = array<i32>} : memref<80xi32, #tpu.memory_space<vmem>>, vector<16xi32>,
      %shift_right_arithmetic3A_91 = arith.constant 3 : i32
      %shift_right_arithmetic3A_92 = vector.broadcast %shift_right_arithmetic3A_91 : i32 to vector<16xi32>
      %shift_right_arithmetic3A_93 = arith.shrsi %select_n3A_86, %shift_right_arithmetic3A_92 : vector<16xi32>
      %add3A_94 = arith.constant 10240 : i32
      %add3A_95 = vector.broadcast %add3A_94 : i32 to vector<16xi32>
      %add3A_96 = arith.addi %add3A_95, %shift_right_arithmetic3A_93 : vector<16xi32>
      %swap3A_97 = arith.constant 16 : index
      %swap3A_98 = tpu.vector_load %arg10[%swap3A_97] {strides = array<i32>} : memref<80xi32, #tpu.memory_space<vmem>>, vector<16xi32>,
      %swap3A_99 = vector.shape_cast %swap3A_98 : vector<16xi32> to vector<16xi32>
      %swap3A_100 = vector.shape_cast %add3A_96 : vector<16xi32> to vector<16xi32>
      tpu.vector_store %arg10[%swap3A_97], %swap3A_100 {strides = array<i32>} : memref<80xi32, #tpu.memory_space<vmem>>, vector<16xi32>,
      %and3A_101 = arith.constant 7 : i32
      %and3A_102 = vector.broadcast %and3A_101 : i32 to vector<16xi32>
      %and3A_103 = arith.andi %select_n3A_86, %and3A_102 : vector<16xi32>
      %swap3A_104 = arith.constant 16 : index
      %swap3A_105 = tpu.vector_load %arg11[%swap3A_104] {strides = array<i32>} : memref<80xi32, #tpu.memory_space<vmem>>, vector<16xi32>,
      %swap3A_106 = vector.shape_cast %swap3A_105 : vector<16xi32> to vector<16xi32>
      %swap3A_107 = vector.shape_cast %and3A_103 : vector<16xi32> to vector<16xi32>
      tpu.vector_store %arg11[%swap3A_104], %swap3A_107 {strides = array<i32>} : memref<80xi32, #tpu.memory_space<vmem>>, vector<16xi32>,
      %get3A_108 = arith.constant 32 : index
      %get3A_109 = tpu.vector_load %arg9[%get3A_108] {strides = array<i32>} : memref<80xi32, #tpu.memory_space<vmem>>, vector<16xi32>,
      %get3A_110 = vector.shape_cast %get3A_109 : vector<16xi32> to vector<16xi32>
      %sub3A_111 = vector.broadcast %mul3A_0 : i32 to vector<16xi32>
      %sub3A_112 = arith.subi %get3A_110, %sub3A_111 : vector<16xi32>
      %ge3A_113 = arith.constant 0 : i32
      %ge3A_114 = vector.broadcast %ge3A_113 : i32 to vector<16xi32>
      %ge3A_115 = arith.cmpi sge, %sub3A_112, %ge3A_114 : vector<16xi32>
      %lt3A_116 = arith.constant 10000 : i32
      %lt3A_117 = vector.broadcast %lt3A_116 : i32 to vector<16xi32>
      %lt3A_118 = arith.cmpi slt, %sub3A_112, %lt3A_117 : vector<16xi32>
      %and3A_119 = arith.andi %ge3A_115, %lt3A_118 : vector<16xi1>
      %jit3A_120 = arith.constant 10000 : i32
      %broadcast_in_dim3A_121 = vector.broadcast %jit3A_120 : i32 to vector<16xi32>
      %select_n3A_122 = arith.select %and3A_119, %sub3A_112, %broadcast_in_dim3A_121 : vector<16xi1>, vector<16xi32>
      %swap3A_123 = arith.constant 32 : index
      %swap3A_124 = tpu.vector_load %arg9[%swap3A_123] {strides = array<i32>} : memref<80xi32, #tpu.memory_space<vmem>>, vector<16xi32>,
      %swap3A_125 = vector.shape_cast %swap3A_124 : vector<16xi32> to vector<16xi32>
      %swap3A_126 = vector.shape_cast %select_n3A_122 : vector<16xi32> to vector<16xi32>
      tpu.vector_store %arg9[%swap3A_123], %swap3A_126 {strides = array<i32>} : memref<80xi32, #tpu.memory_space<vmem>>, vector<16xi32>,
      %shift_right_arithmetic3A_127 = arith.constant 3 : i32
      %shift_right_arithmetic3A_128 = vector.broadcast %shift_right_arithmetic3A_127 : i32 to vector<16xi32>
      %shift_right_arithmetic3A_129 = arith.shrsi %select_n3A_122, %shift_right_arithmetic3A_128 : vector<16xi32>
      %add3A_130 = arith.constant 10240 : i32
      %add3A_131 = vector.broadcast %add3A_130 : i32 to vector<16xi32>
      %add3A_132 = arith.addi %add3A_131, %shift_right_arithmetic3A_129 : vector<16xi32>
      %swap3A_133 = arith.constant 32 : index
      %swap3A_134 = tpu.vector_load %arg10[%swap3A_133] {strides = array<i32>} : memref<80xi32, #tpu.memory_space<vmem>>, vector<16xi32>,
      %swap3A_135 = vector.shape_cast %swap3A_134 : vector<16xi32> to vector<16xi32>
      %swap3A_136 = vector.shape_cast %add3A_132 : vector<16xi32> to vector<16xi32>
      tpu.vector_store %arg10[%swap3A_133], %swap3A_136 {strides = array<i32>} : memref<80xi32, #tpu.memory_space<vmem>>, vector<16xi32>,
      %and3A_137 = arith.constant 7 : i32
      %and3A_138 = vector.broadcast %and3A_137 : i32 to vector<16xi32>
      %and3A_139 = arith.andi %select_n3A_122, %and3A_138 : vector<16xi32>
      %swap3A_140 = arith.constant 32 : index
      %swap3A_141 = tpu.vector_load %arg11[%swap3A_140] {strides = array<i32>} : memref<80xi32, #tpu.memory_space<vmem>>, vector<16xi32>,
      %swap3A_142 = vector.shape_cast %swap3A_141 : vector<16xi32> to vector<16xi32>
      %swap3A_143 = vector.shape_cast %and3A_139 : vector<16xi32> to vector<16xi32>
      tpu.vector_store %arg11[%swap3A_140], %swap3A_143 {strides = array<i32>} : memref<80xi32, #tpu.memory_space<vmem>>, vector<16xi32>,
      %get3A_144 = arith.constant 48 : index
      %get3A_145 = tpu.vector_load %arg9[%get3A_144] {strides = array<i32>} : memref<80xi32, #tpu.memory_space<vmem>>, vector<16xi32>,
      %get3A_146 = vector.shape_cast %get3A_145 : vector<16xi32> to vector<16xi32>
      %sub3A_147 = vector.broadcast %mul3A_0 : i32 to vector<16xi32>
      %sub3A_148 = arith.subi %get3A_146, %sub3A_147 : vector<16xi32>
      %ge3A_149 = arith.constant 0 : i32
      %ge3A_150 = vector.broadcast %ge3A_149 : i32 to vector<16xi32>
      %ge3A_151 = arith.cmpi sge, %sub3A_148, %ge3A_150 : vector<16xi32>
      %lt3A_152 = arith.constant 10000 : i32
      %lt3A_153 = vector.broadcast %lt3A_152 : i32 to vector<16xi32>
      %lt3A_154 = arith.cmpi slt, %sub3A_148, %lt3A_153 : vector<16xi32>
      %and3A_155 = arith.andi %ge3A_151, %lt3A_154 : vector<16xi1>
      %jit3A_156 = arith.constant 10000 : i32
      %broadcast_in_dim3A_157 = vector.broadcast %jit3A_156 : i32 to vector<16xi32>
      %select_n3A_158 = arith.select %and3A_155, %sub3A_148, %broadcast_in_dim3A_157 : vector<16xi1>, vector<16xi32>
      %swap3A_159 = arith.constant 48 : index
      %swap3A_160 = tpu.vector_load %arg9[%swap3A_159] {strides = array<i32>} : memref<80xi32, #tpu.memory_space<vmem>>, vector<16xi32>,
      %swap3A_161 = vector.shape_cast %swap3A_160 : vector<16xi32> to vector<16xi32>
      %swap3A_162 = vector.shape_cast %select_n3A_158 : vector<16xi32> to vector<16xi32>
      tpu.vector_store %arg9[%swap3A_159], %swap3A_162 {strides = array<i32>} : memref<80xi32, #tpu.memory_space<vmem>>, vector<16xi32>,
      %shift_right_arithmetic3A_163 = arith.constant 3 : i32
      %shift_right_arithmetic3A_164 = vector.broadcast %shift_right_arithmetic3A_163 : i32 to vector<16xi32>
      %shift_right_arithmetic3A_165 = arith.shrsi %select_n3A_158, %shift_right_arithmetic3A_164 : vector<16xi32>
      %add3A_166 = arith.constant 10240 : i32
      %add3A_167 = vector.broadcast %add3A_166 : i32 to vector<16xi32>
      %add3A_168 = arith.addi %add3A_167, %shift_right_arithmetic3A_165 : vector<16xi32>
      %swap3A_169 = arith.constant 48 : index
      %swap3A_170 = tpu.vector_load %arg10[%swap3A_169] {strides = array<i32>} : memref<80xi32, #tpu.memory_space<vmem>>, vector<16xi32>,
      %swap3A_171 = vector.shape_cast %swap3A_170 : vector<16xi32> to vector<16xi32>
      %swap3A_172 = vector.shape_cast %add3A_168 : vector<16xi32> to vector<16xi32>
      tpu.vector_store %arg10[%swap3A_169], %swap3A_172 {strides = array<i32>} : memref<80xi32, #tpu.memory_space<vmem>>, vector<16xi32>,
      %and3A_173 = arith.constant 7 : i32
      %and3A_174 = vector.broadcast %and3A_173 : i32 to vector<16xi32>
      %and3A_175 = arith.andi %select_n3A_158, %and3A_174 : vector<16xi32>
      %swap3A_176 = arith.constant 48 : index
      %swap3A_177 = tpu.vector_load %arg11[%swap3A_176] {strides = array<i32>} : memref<80xi32, #tpu.memory_space<vmem>>, vector<16xi32>,
      %swap3A_178 = vector.shape_cast %swap3A_177 : vector<16xi32> to vector<16xi32>
      %swap3A_179 = vector.shape_cast %and3A_175 : vector<16xi32> to vector<16xi32>
      tpu.vector_store %arg11[%swap3A_176], %swap3A_179 {strides = array<i32>} : memref<80xi32, #tpu.memory_space<vmem>>, vector<16xi32>,
      %get3A_180 = arith.constant 64 : index
      %get3A_181 = tpu.vector_load %arg9[%get3A_180] {strides = array<i32>} : memref<80xi32, #tpu.memory_space<vmem>>, vector<16xi32>,
      %get3A_182 = vector.shape_cast %get3A_181 : vector<16xi32> to vector<16xi32>
      %sub3A_183 = vector.broadcast %mul3A_0 : i32 to vector<16xi32>
      %sub3A_184 = arith.subi %get3A_182, %sub3A_183 : vector<16xi32>
      %ge3A_185 = arith.constant 0 : i32
      %ge3A_186 = vector.broadcast %ge3A_185 : i32 to vector<16xi32>
      %ge3A_187 = arith.cmpi sge, %sub3A_184, %ge3A_186 : vector<16xi32>
      %lt3A_188 = arith.constant 10000 : i32
      %lt3A_189 = vector.broadcast %lt3A_188 : i32 to vector<16xi32>
      %lt3A_190 = arith.cmpi slt, %sub3A_184, %lt3A_189 : vector<16xi32>
      %and3A_191 = arith.andi %ge3A_187, %lt3A_190 : vector<16xi1>
      %jit3A_192 = arith.constant 10000 : i32
      %broadcast_in_dim3A_193 = vector.broadcast %jit3A_192 : i32 to vector<16xi32>
      %select_n3A_194 = arith.select %and3A_191, %sub3A_184, %broadcast_in_dim3A_193 : vector<16xi1>, vector<16xi32>
      %swap3A_195 = arith.constant 64 : index
      %swap3A_196 = tpu.vector_load %arg9[%swap3A_195] {strides = array<i32>} : memref<80xi32, #tpu.memory_space<vmem>>, vector<16xi32>,
      %swap3A_197 = vector.shape_cast %swap3A_196 : vector<16xi32> to vector<16xi32>
      %swap3A_198 = vector.shape_cast %select_n3A_194 : vector<16xi32> to vector<16xi32>
      tpu.vector_store %arg9[%swap3A_195], %swap3A_198 {strides = array<i32>} : memref<80xi32, #tpu.memory_space<vmem>>, vector<16xi32>,
      %shift_right_arithmetic3A_199 = arith.constant 3 : i32
      %shift_right_arithmetic3A_200 = vector.broadcast %shift_right_arithmetic3A_199 : i32 to vector<16xi32>
      %shift_right_arithmetic3A_201 = arith.shrsi %select_n3A_194, %shift_right_arithmetic3A_200 : vector<16xi32>
      %add3A_202 = arith.constant 10240 : i32
      %add3A_203 = vector.broadcast %add3A_202 : i32 to vector<16xi32>
      %add3A_204 = arith.addi %add3A_203, %shift_right_arithmetic3A_201 : vector<16xi32>
      %swap3A_205 = arith.constant 64 : index
      %swap3A_206 = tpu.vector_load %arg10[%swap3A_205] {strides = array<i32>} : memref<80xi32, #tpu.memory_space<vmem>>, vector<16xi32>,
      %swap3A_207 = vector.shape_cast %swap3A_206 : vector<16xi32> to vector<16xi32>
      %swap3A_208 = vector.shape_cast %add3A_204 : vector<16xi32> to vector<16xi32>
      tpu.vector_store %arg10[%swap3A_205], %swap3A_208 {strides = array<i32>} : memref<80xi32, #tpu.memory_space<vmem>>, vector<16xi32>,
      %and3A_209 = arith.constant 7 : i32
      %and3A_210 = vector.broadcast %and3A_209 : i32 to vector<16xi32>
      %and3A_211 = arith.andi %select_n3A_194, %and3A_210 : vector<16xi32>
      %swap3A_212 = arith.constant 64 : index
      %swap3A_213 = tpu.vector_load %arg11[%swap3A_212] {strides = array<i32>} : memref<80xi32, #tpu.memory_space<vmem>>, vector<16xi32>,
      %swap3A_214 = vector.shape_cast %swap3A_213 : vector<16xi32> to vector<16xi32>
      %swap3A_215 = vector.shape_cast %and3A_211 : vector<16xi32> to vector<16xi32>
      tpu.vector_store %arg11[%swap3A_212], %swap3A_215 {strides = array<i32>} : memref<80xi32, #tpu.memory_space<vmem>>, vector<16xi32>,
      %dma_start3A = arith.constant 0 : i32
      %dma_start3A_216 = arith.constant 0 : i32
      %dma_start3A_217 = tpu.memref_slice %arg2[%dma_start3A, %dma_start3A_216] : memref<10000x128xf32, #tpu.memory_space<hbm>> -> memref<10000x128xf32, #tpu.memory_space<hbm>>
      tpu.enqueue_indirect_dma source(%dma_start3A_217 : memref<10000x128xf32, #tpu.memory_space<hbm>>) target(%arg12 : memref<80x128xf32, #tpu.memory_space<vmem>>) offsets(%arg8 : memref<80xi32, #tpu.memory_space<vmem>>) semaphore(%arg15 : memref<!tpu.dma_semaphore, #tpu.memory_space<semaphore_mem>>)
      %dma_wait3A = arith.constant 0 : i32
      %dma_wait3A_218 = arith.constant 0 : i32
      %dma_wait3A_219 = tpu.memref_slice %arg2[%dma_wait3A, %dma_wait3A_218] : memref<10000x128xf32, #tpu.memory_space<hbm>> -> memref<10000x128xf32, #tpu.memory_space<hbm>>
      tpu.wait_indirect_dma semaphore(%arg15 : memref<!tpu.dma_semaphore, #tpu.memory_space<semaphore_mem>>) src(%dma_wait3A_219 : memref<10000x128xf32, #tpu.memory_space<hbm>>) dst(%arg12 : memref<80x128xf32, #tpu.memory_space<vmem>>)
      "tpu.region"() ({
        %run_scoped3A = tpu.sem_alloc : memref<!tpu.dma_semaphore, #tpu.memory_space<semaphore_mem>>
        %dma_start3A_227 = arith.constant 0 : i32
        %dma_start3A_228 = arith.constant 0 : i32
        %dma_start3A_229 = tpu.memref_slice %arg14[%dma_start3A_227, %dma_start3A_228] : memref<11520x128xf32, #tpu.memory_space<vmem_shared>> -> memref<11520x128xf32, #tpu.memory_space<vmem_shared>>
        tpu.enqueue_indirect_dma source(%arg12 : memref<80x128xf32, #tpu.memory_space<vmem>>) target(%dma_start3A_229 : memref<11520x128xf32, #tpu.memory_space<vmem_shared>>) offsets(%arg9 : memref<80xi32, #tpu.memory_space<vmem>>) semaphore(%run_scoped3A : memref<!tpu.dma_semaphore, #tpu.memory_space<semaphore_mem>>) {add = true}
        %dma_wait3A_230 = arith.constant 0 : i32
        %dma_wait3A_231 = arith.constant 0 : i32
        %dma_wait3A_232 = tpu.memref_slice %arg14[%dma_wait3A_230, %dma_wait3A_231] : memref<11520x128xf32, #tpu.memory_space<vmem_shared>> -> memref<11520x128xf32, #tpu.memory_space<vmem_shared>>
        tpu.wait_indirect_dma semaphore(%run_scoped3A : memref<!tpu.dma_semaphore, #tpu.memory_space<semaphore_mem>>) src(%arg12 : memref<80x128xf32, #tpu.memory_space<vmem>>) dst(%dma_wait3A_232 : memref<11520x128xf32, #tpu.memory_space<vmem_shared>>)
        tpu.yield
      }) : () -> ()
      %dma_start3A_220 = arith.constant 0 : i32
      %dma_start3A_221 = arith.constant 0 : i32
      %dma_start3A_222 = tpu.memref_slice %arg5[%dma_start3A_220, %dma_start3A_221] : memref<8x128xf32, #tpu.memory_space<hbm>> -> memref<8x128xf32, #tpu.memory_space<hbm>>
      tpu.enqueue_indirect_dma source(%dma_start3A_222 : memref<8x128xf32, #tpu.memory_space<hbm>>) target(%arg13 : memref<80x128xf32, #tpu.memory_space<vmem>>) offsets(%arg11 : memref<80xi32, #tpu.memory_space<vmem>>) semaphore(%arg15 : memref<!tpu.dma_semaphore, #tpu.memory_space<semaphore_mem>>)
      %dma_wait3A_223 = arith.constant 0 : i32
      %dma_wait3A_224 = arith.constant 0 : i32
      %dma_wait3A_225 = tpu.memref_slice %arg5[%dma_wait3A_223, %dma_wait3A_224] : memref<8x128xf32, #tpu.memory_space<hbm>> -> memref<8x128xf32, #tpu.memory_space<hbm>>
      tpu.wait_indirect_dma semaphore(%arg15 : memref<!tpu.dma_semaphore, #tpu.memory_space<semaphore_mem>>) src(%dma_wait3A_225 : memref<8x128xf32, #tpu.memory_space<hbm>>) dst(%arg13 : memref<80x128xf32, #tpu.memory_space<vmem>>)
      "tpu.region"() ({
        %run_scoped3A = tpu.sem_alloc : memref<!tpu.dma_semaphore, #tpu.memory_space<semaphore_mem>>
        %dma_start3A_227 = arith.constant 0 : i32
        %dma_start3A_228 = arith.constant 0 : i32
        %dma_start3A_229 = tpu.memref_slice %arg14[%dma_start3A_227, %dma_start3A_228] : memref<11520x128xf32, #tpu.memory_space<vmem_shared>> -> memref<11520x128xf32, #tpu.memory_space<vmem_shared>>
        tpu.enqueue_indirect_dma source(%arg13 : memref<80x128xf32, #tpu.memory_space<vmem>>) target(%dma_start3A_229 : memref<11520x128xf32, #tpu.memory_space<vmem_shared>>) offsets(%arg10 : memref<80xi32, #tpu.memory_space<vmem>>) semaphore(%run_scoped3A : memref<!tpu.dma_semaphore, #tpu.memory_space<semaphore_mem>>) {add = true}
        %dma_wait3A_230 = arith.constant 0 : i32
        %dma_wait3A_231 = arith.constant 0 : i32
        %dma_wait3A_232 = tpu.memref_slice %arg14[%dma_wait3A_230, %dma_wait3A_231] : memref<11520x128xf32, #tpu.memory_space<vmem_shared>> -> memref<11520x128xf32, #tpu.memory_space<vmem_shared>>
        tpu.wait_indirect_dma semaphore(%run_scoped3A : memref<!tpu.dma_semaphore, #tpu.memory_space<semaphore_mem>>) src(%arg13 : memref<80x128xf32, #tpu.memory_space<vmem>>) dst(%dma_wait3A_232 : memref<11520x128xf32, #tpu.memory_space<vmem_shared>>)
        tpu.yield
      }) : () -> ()
      %scan3A_226 = arith.constant 0 : i32
      scf.yield %scan3A_226 : i32
    }
    %scan3A_25 = arith.constant 250 : i32
    %barrier3A_26 = arith.constant 0 : index
    tpu.barrier barrier_id(%barrier3A_26)
    %mul3A_27 = arith.constant 624 : i32
    %mul3A_28 = arith.muli %arg1, %mul3A_27 : i32
    %add3A = arith.addi %mul3A_0, %mul3A_28 : i32
    "tpu.region"() ({
      %run_scoped3A = tpu.sem_alloc : memref<!tpu.dma_semaphore, #tpu.memory_space<semaphore_mem>>
      %dma_start3A = arith.constant 0 : i32
      %dma_start3A_40 = tpu.memref_slice %arg6[%add3A, %dma_start3A] : memref<20000x128xf32, #tpu.memory_space<hbm>> -> memref<624x128xf32, #tpu.memory_space<hbm>>
      %dma_start3A_41 = arith.constant 0 : i32
      %dma_start3A_42 = tpu.memref_slice %arg14[%mul3A_28, %dma_start3A_41] : memref<11520x128xf32, #tpu.memory_space<vmem_shared>> -> memref<624x128xf32, #tpu.memory_space<vmem_shared>>
      tpu.enqueue_dma source(%dma_start3A_42 : memref<624x128xf32, #tpu.memory_space<vmem_shared>>) target(%dma_start3A_40 : memref<624x128xf32, #tpu.memory_space<hbm>>) target_semaphore(%run_scoped3A : memref<!tpu.dma_semaphore, #tpu.memory_space<semaphore_mem>>)
      %dma_wait3A = arith.constant 0 : i32
      %dma_wait3A_43 = tpu.memref_slice %arg6[%add3A, %dma_wait3A] : memref<20000x128xf32, #tpu.memory_space<hbm>> -> memref<624x128xf32, #tpu.memory_space<hbm>>
      %dma_wait3A_44 = arith.constant 0 : i32
      %dma_wait3A_45 = tpu.memref_slice %arg14[%mul3A_28, %dma_wait3A_44] : memref<11520x128xf32, #tpu.memory_space<vmem_shared>> -> memref<624x128xf32, #tpu.memory_space<vmem_shared>>
      tpu.wait_dma2 semaphore(%run_scoped3A : memref<!tpu.dma_semaphore, #tpu.memory_space<semaphore_mem>>) src(%dma_wait3A_45 : memref<624x128xf32, #tpu.memory_space<vmem_shared>>) dst(%dma_wait3A_43 : memref<624x128xf32, #tpu.memory_space<hbm>>)
      tpu.yield
    }) : () -> ()
    %eq3A = arith.constant 0 : i32
    %eq3A_29 = arith.cmpi eq, %arg1, %eq3A : i32
    %convert_element_type3A = arith.extui %eq3A_29 : i1 to i32
    %cond3A = arith.constant 0 : i32
    %cond3A_30 = arith.cmpi ne, %convert_element_type3A, %cond3A : i32
    scf.if %cond3A_30 {
      %add3A_40 = arith.constant 9984 : i32
      %add3A_41 = arith.addi %mul3A_0, %add3A_40 : i32
      "tpu.region"() ({
        %run_scoped3A = tpu.sem_alloc : memref<!tpu.dma_semaphore, #tpu.memory_space<semaphore_mem>>
        %dma_start3A = arith.constant 0 : i32
        %dma_start3A_42 = tpu.memref_slice %arg6[%add3A_41, %dma_start3A] : memref<20000x128xf32, #tpu.memory_space<hbm>> -> memref<16x128xf32, #tpu.memory_space<hbm>>
        %dma_start3A_43 = arith.constant 9984 : i32
        %dma_start3A_44 = arith.constant 0 : i32
        %dma_start3A_45 = tpu.memref_slice %arg14[%dma_start3A_43, %dma_start3A_44] : memref<11520x128xf32, #tpu.memory_space<vmem_shared>> -> memref<16x128xf32, #tpu.memory_space<vmem_shared>>
        tpu.enqueue_dma source(%dma_start3A_45 : memref<16x128xf32, #tpu.memory_space<vmem_shared>>) target(%dma_start3A_42 : memref<16x128xf32, #tpu.memory_space<hbm>>) target_semaphore(%run_scoped3A : memref<!tpu.dma_semaphore, #tpu.memory_space<semaphore_mem>>)
        %dma_wait3A = arith.constant 0 : i32
        %dma_wait3A_46 = tpu.memref_slice %arg6[%add3A_41, %dma_wait3A] : memref<20000x128xf32, #tpu.memory_space<hbm>> -> memref<16x128xf32, #tpu.memory_space<hbm>>
        %dma_wait3A_47 = arith.constant 9984 : i32
        %dma_wait3A_48 = arith.constant 0 : i32
        %dma_wait3A_49 = tpu.memref_slice %arg14[%dma_wait3A_47, %dma_wait3A_48] : memref<11520x128xf32, #tpu.memory_space<vmem_shared>> -> memref<16x128xf32, #tpu.memory_space<vmem_shared>>
        tpu.wait_dma2 semaphore(%run_scoped3A : memref<!tpu.dma_semaphore, #tpu.memory_space<semaphore_mem>>) src(%dma_wait3A_49 : memref<16x128xf32, #tpu.memory_space<vmem_shared>>) dst(%dma_wait3A_46 : memref<16x128xf32, #tpu.memory_space<hbm>>)
        tpu.yield
      }) : () -> ()
    } else {
    }
    %mul3A_31 = arith.constant 80 : i32
    %mul3A_32 = arith.muli %arg1, %mul3A_31 : i32
    %add3A_33 = arith.constant 10240 : i32
    %add3A_34 = arith.addi %add3A_33, %mul3A_32 : i32
    %mul3A_35 = arith.constant 1280 : i32
    %mul3A_36 = arith.muli %arg0, %mul3A_35 : i32
    %mul3A_37 = arith.constant 80 : i32
    %mul3A_38 = arith.muli %arg1, %mul3A_37 : i32
    %add3A_39 = arith.addi %mul3A_36, %mul3A_38 : i32
    "tpu.region"() ({
      %run_scoped3A = tpu.sem_alloc : memref<!tpu.dma_semaphore, #tpu.memory_space<semaphore_mem>>
      %dma_start3A = arith.constant 0 : i32
      %dma_start3A_40 = tpu.memref_slice %arg7[%add3A_39, %dma_start3A] : memref<2560x128xf32, #tpu.memory_space<hbm>> -> memref<80x128xf32, #tpu.memory_space<hbm>>
      %dma_start3A_41 = arith.constant 0 : i32
      %dma_start3A_42 = tpu.memref_slice %arg14[%add3A_34, %dma_start3A_41] : memref<11520x128xf32, #tpu.memory_space<vmem_shared>> -> memref<80x128xf32, #tpu.memory_space<vmem_shared>>
      tpu.enqueue_dma source(%dma_start3A_42 : memref<80x128xf32, #tpu.memory_space<vmem_shared>>) target(%dma_start3A_40 : memref<80x128xf32, #tpu.memory_space<hbm>>) target_semaphore(%run_scoped3A : memref<!tpu.dma_semaphore, #tpu.memory_space<semaphore_mem>>)
      %dma_wait3A = arith.constant 0 : i32
      %dma_wait3A_43 = tpu.memref_slice %arg7[%add3A_39, %dma_wait3A] : memref<2560x128xf32, #tpu.memory_space<hbm>> -> memref<80x128xf32, #tpu.memory_space<hbm>>
      %dma_wait3A_44 = arith.constant 0 : i32
      %dma_wait3A_45 = tpu.memref_slice %arg14[%add3A_34, %dma_wait3A_44] : memref<11520x128xf32, #tpu.memory_space<vmem_shared>> -> memref<80x128xf32, #tpu.memory_space<vmem_shared>>
      tpu.wait_dma2 semaphore(%run_scoped3A : memref<!tpu.dma_semaphore, #tpu.memory_space<semaphore_mem>>) src(%dma_wait3A_45 : memref<80x128xf32, #tpu.memory_space<vmem_shared>>) dst(%dma_wait3A_43 : memref<80x128xf32, #tpu.memory_space<hbm>>)
      tpu.yield
    }) : () -> ()
    return
  }
}

module attributes {stable_mosaic.version = 14 : i64} {
  func.func @_mm_body(%arg0: i32, %arg1: memref<1000x128xf32, #tpu.memory_space<vmem>>, %arg2: memref<128x128xf32, #tpu.memory_space<vmem>>, %arg3: memref<1000x128xf32, #tpu.memory_space<vmem>>) attributes {dimension_semantics = [#tpu.dimension_semantics<arbitrary>], iteration_bounds = array<i64: 10>, scalar_prefetch = 0 : i64, scratch_operands = 0 : i64, tpu.core_type = #tpu.core_type<tc>, window_params = [{transform_indices = @transform_0, window_bounds = array<i64: 1000, 128>}, {pipeline_mode = #tpu.pipeline_mode<synchronous>, transform_indices = @transform_1, window_bounds = array<i64: 128, 128>}, {transform_indices = @transform_2, window_bounds = array<i64: 1000, 128>}]} {
    %get3A = arith.constant 0 : index
    %get3A_0 = arith.constant 0 : index
    %get3A_1 = vector.load %arg1[%get3A, %get3A_0] : memref<1000x128xf32, #tpu.memory_space<vmem>>, vector<1000x128xf32>
    %get3A_2 = arith.constant 0 : index
    %get3A_3 = arith.constant 0 : index
    %get3A_4 = vector.load %arg2[%get3A_2, %get3A_3] : memref<128x128xf32, #tpu.memory_space<vmem>>, vector<128x128xf32>
    %dot_general3A = arith.constant dense<0.000000e+00> : vector<1000x128xf32>
    %dot_general3A_5 = tpu.matmul %get3A_1, %get3A_4, %dot_general3A {dimension_numbers = #tpu.dot_dimension_numbers<[1], [0], [0], [1], [0, 0, 1, 1], [], []>, transpose_lhs_hint = false} : vector<1000x128xf32>, vector<128x128xf32>, vector<1000x128xf32> -> vector<1000x128xf32>
    %swap3A = arith.constant 0 : index
    %swap3A_6 = arith.constant 0 : index
    %swap3A_7 = vector.load %arg3[%swap3A, %swap3A_6] : memref<1000x128xf32, #tpu.memory_space<vmem>>, vector<1000x128xf32>
    tpu.vector_store %arg3[%swap3A, %swap3A_6], %dot_general3A_5 {strides = array<i32>} : memref<1000x128xf32, #tpu.memory_space<vmem>>, vector<1000x128xf32>,
    return
  }
  func.func @transform_0(%arg0: i32) -> (i32, i32) {
    %c0_i32 = arith.constant 0 : i32
    %c0_i32_0 = arith.constant 0 : i32
    return %arg0, %c0_i32 : i32, i32
  }
  func.func @transform_1(%arg0: i32) -> (i32, i32) {
    %c0_i32 = arith.constant 0 : i32
    %c0_i32_0 = arith.constant 0 : i32
    %c0_i32_1 = arith.constant 0 : i32
    return %c0_i32, %c0_i32_0 : i32, i32
  }
  func.func @transform_2(%arg0: i32) -> (i32, i32) {
    %c0_i32 = arith.constant 0 : i32
    %c0_i32_0 = arith.constant 0 : i32
    return %arg0, %c0_i32 : i32, i32
  }
}

module attributes {stable_mosaic.version = 14 : i64} {
  func.func @_k3a_body(%arg0: i32, %arg1: memref<2000x128xf32, #tpu.memory_space<vmem>>, %arg2: memref<2000x1xf32, #tpu.memory_space<vmem>>, %arg3: memref<128x8xf32, #tpu.memory_space<vmem>>, %arg4: memref<2000x128xf32, #tpu.memory_space<vmem>>, %arg5: memref<1x8xf32, #tpu.memory_space<vmem>>, %arg6: memref<1x8xf32, #tpu.memory_space<vmem>>) attributes {dimension_semantics = [#tpu.dimension_semantics<arbitrary>], iteration_bounds = array<i64: 10>, scalar_prefetch = 0 : i64, scratch_operands = 1 : i64, tpu.core_type = #tpu.core_type<tc>, window_params = [{transform_indices = @transform_0, window_bounds = array<i64: 2000, 128>}, {transform_indices = @transform_1, window_bounds = array<i64: 2000, 1>}, {pipeline_mode = #tpu.pipeline_mode<synchronous>, transform_indices = @transform_2, window_bounds = array<i64: 128, 8>}, {transform_indices = @transform_3, window_bounds = array<i64: 2000, 128>}, {pipeline_mode = #tpu.pipeline_mode<synchronous>, transform_indices = @transform_4, window_bounds = array<i64: 1, 8>}]} {
    %get3A = arith.constant 0 : index
    %get3A_0 = arith.constant 0 : index
    %get3A_1 = vector.load %arg2[%get3A, %get3A_0] : memref<2000x1xf32, #tpu.memory_space<vmem>>, vector<2000x1xf32>
    %max3A = arith.constant 1.000000e+00 : f32
    %max3A_2 = vector.broadcast %max3A : f32 to vector<2000x1xf32>
    %max3A_3 = arith.maximumf %get3A_1, %max3A_2 : vector<2000x1xf32>
    %broadcast_in_dim3A = vector.shape_cast %max3A_3 : vector<2000x1xf32> to vector<2000x1xf32>
    %broadcast_in_dim3A_4 = vector.broadcast %broadcast_in_dim3A : vector<2000x1xf32> to vector<2000x128xf32>
    %get3A_5 = arith.constant 0 : index
    %get3A_6 = arith.constant 0 : index
    %get3A_7 = vector.load %arg1[%get3A_5, %get3A_6] : memref<2000x128xf32, #tpu.memory_space<vmem>>, vector<2000x128xf32>
    %div3A = arith.divf %get3A_7, %broadcast_in_dim3A_4 : vector<2000x128xf32>
    %swap3A = arith.constant 0 : index
    %swap3A_8 = arith.constant 0 : index
    %swap3A_9 = vector.load %arg4[%swap3A, %swap3A_8] : memref<2000x128xf32, #tpu.memory_space<vmem>>, vector<2000x128xf32>
    tpu.vector_store %arg4[%swap3A, %swap3A_8], %div3A {strides = array<i32>} : memref<2000x128xf32, #tpu.memory_space<vmem>>, vector<2000x128xf32>,
    %get3A_10 = arith.constant 0 : index
    %get3A_11 = arith.constant 0 : index
    %get3A_12 = vector.load %arg3[%get3A_10, %get3A_11] : memref<128x8xf32, #tpu.memory_space<vmem>>, vector<128x8xf32>
    %dot_general3A = arith.constant dense<0.000000e+00> : vector<2000x8xf32>
    %dot_general3A_13 = tpu.matmul %div3A, %get3A_12, %dot_general3A {dimension_numbers = #tpu.dot_dimension_numbers<[1], [0], [0], [1], [0, 0, 1, 1], [], []>, transpose_lhs_hint = false} : vector<2000x128xf32>, vector<128x8xf32>, vector<2000x8xf32> -> vector<2000x8xf32>
    %ge3A = arith.constant 0.000000e+00 : f32
    %ge3A_14 = vector.broadcast %ge3A : f32 to vector<2000x8xf32>
    %ge3A_15 = arith.cmpf oge, %dot_general3A_13, %ge3A_14 : vector<2000x8xf32>
    %mul3A = arith.constant 2.000000e-01 : f32
    %mul3A_16 = vector.broadcast %mul3A : f32 to vector<2000x8xf32>
    %mul3A_17 = arith.mulf %mul3A_16, %dot_general3A_13 : vector<2000x8xf32>
    %select_n3A = arith.select %ge3A_15, %dot_general3A_13, %mul3A_17 : vector<2000x8xi1>, vector<2000x8xf32>
    %reduce_max3A = arith.constant dense<0xFF800000> : vector<8xf32>
    %reduce_max3A_18 = vector.multi_reduction <maximumf>, %select_n3A, %reduce_max3A [0] : vector<2000x8xf32> to vector<8xf32>
    %broadcast_in_dim3A_19 = vector.shape_cast %reduce_max3A_18 : vector<8xf32> to vector<1x8xf32>
    %eq3A = arith.constant 0 : i32
    %eq3A_20 = arith.cmpi eq, %arg0, %eq3A : i32
    %convert_element_type3A = arith.extui %eq3A_20 : i1 to i32
    %cond3A = arith.constant 0 : i32
    %cond3A_21 = arith.cmpi ne, %convert_element_type3A, %cond3A : i32
    scf.if %cond3A_21 {
      %swap3A_32 = arith.constant 0 : index
      %swap3A_33 = arith.constant 0 : index
      %swap3A_34 = vector.load %arg6[%swap3A_32, %swap3A_33] : memref<1x8xf32, #tpu.memory_space<vmem>>, vector<1x8xf32>
      tpu.vector_store %arg6[%swap3A_32, %swap3A_33], %broadcast_in_dim3A_19 {strides = array<i32>} : memref<1x8xf32, #tpu.memory_space<vmem>>, vector<1x8xf32>,
    } else {
    }
    %gt3A = arith.constant 0 : i32
    %gt3A_22 = arith.cmpi sgt, %arg0, %gt3A : i32
    %convert_element_type3A_23 = arith.extui %gt3A_22 : i1 to i32
    %cond3A_24 = arith.constant 0 : i32
    %cond3A_25 = arith.cmpi ne, %convert_element_type3A_23, %cond3A_24 : i32
    scf.if %cond3A_25 {
      %get3A_32 = arith.constant 0 : index
      %get3A_33 = arith.constant 0 : index
      %get3A_34 = vector.load %arg6[%get3A_32, %get3A_33] : memref<1x8xf32, #tpu.memory_space<vmem>>, vector<1x8xf32>
      %max3A_35 = arith.maximumf %get3A_34, %broadcast_in_dim3A_19 : vector<1x8xf32>
      %swap3A_36 = arith.constant 0 : index
      %swap3A_37 = arith.constant 0 : index
      %swap3A_38 = vector.load %arg6[%swap3A_36, %swap3A_37] : memref<1x8xf32, #tpu.memory_space<vmem>>, vector<1x8xf32>
      tpu.vector_store %arg6[%swap3A_36, %swap3A_37], %max3A_35 {strides = array<i32>} : memref<1x8xf32, #tpu.memory_space<vmem>>, vector<1x8xf32>,
    } else {
    }
    %get3A_26 = arith.constant 0 : index
    %get3A_27 = arith.constant 0 : index
    %get3A_28 = vector.load %arg6[%get3A_26, %get3A_27] : memref<1x8xf32, #tpu.memory_space<vmem>>, vector<1x8xf32>
    %swap3A_29 = arith.constant 0 : index
    %swap3A_30 = arith.constant 0 : index
    %swap3A_31 = vector.load %arg5[%swap3A_29, %swap3A_30] : memref<1x8xf32, #tpu.memory_space<vmem>>, vector<1x8xf32>
    tpu.vector_store %arg5[%swap3A_29, %swap3A_30], %get3A_28 {strides = array<i32>} : memref<1x8xf32, #tpu.memory_space<vmem>>, vector<1x8xf32>,
    return
  }
  func.func @transform_0(%arg0: i32) -> (i32, i32) {
    %c0_i32 = arith.constant 0 : i32
    %c0_i32_0 = arith.constant 0 : i32
    return %arg0, %c0_i32 : i32, i32
  }
  func.func @transform_1(%arg0: i32) -> (i32, i32) {
    %c0_i32 = arith.constant 0 : i32
    %c0_i32_0 = arith.constant 0 : i32
    return %arg0, %c0_i32 : i32, i32
  }
  func.func @transform_2(%arg0: i32) -> (i32, i32) {
    %c0_i32 = arith.constant 0 : i32
    %c0_i32_0 = arith.constant 0 : i32
    %c0_i32_1 = arith.constant 0 : i32
    return %c0_i32, %c0_i32_0 : i32, i32
  }
  func.func @transform_3(%arg0: i32) -> (i32, i32) {
    %c0_i32 = arith.constant 0 : i32
    %c0_i32_0 = arith.constant 0 : i32
    return %arg0, %c0_i32 : i32, i32
  }
  func.func @transform_4(%arg0: i32) -> (i32, i32) {
    %c0_i32 = arith.constant 0 : i32
    %c0_i32_0 = arith.constant 0 : i32
    %c0_i32_1 = arith.constant 0 : i32
    return %c0_i32, %c0_i32_0 : i32, i32
  }
}

module attributes {stable_mosaic.version = 14 : i64} {
  func.func @_k3b_body(%arg0: i32, %arg1: memref<2000x128xf32, #tpu.memory_space<vmem>>, %arg2: memref<128x8xf32, #tpu.memory_space<vmem>>, %arg3: memref<1x8xf32, #tpu.memory_space<vmem>>, %arg4: memref<2000x128xf32, #tpu.memory_space<vmem>>, %arg5: memref<2000x128xf32, #tpu.memory_space<vmem>>) attributes {dimension_semantics = [#tpu.dimension_semantics<arbitrary>], iteration_bounds = array<i64: 10>, scalar_prefetch = 0 : i64, scratch_operands = 0 : i64, tpu.core_type = #tpu.core_type<tc>, window_params = [{transform_indices = @transform_0, window_bounds = array<i64: 2000, 128>}, {pipeline_mode = #tpu.pipeline_mode<synchronous>, transform_indices = @transform_1, window_bounds = array<i64: 128, 8>}, {pipeline_mode = #tpu.pipeline_mode<synchronous>, transform_indices = @transform_2, window_bounds = array<i64: 1, 8>}, {transform_indices = @transform_3, window_bounds = array<i64: 2000, 128>}, {transform_indices = @transform_4, window_bounds = array<i64: 2000, 128>}]} {
    %get3A = arith.constant 0 : index
    %get3A_0 = arith.constant 0 : index
    %get3A_1 = vector.load %arg1[%get3A, %get3A_0] : memref<2000x128xf32, #tpu.memory_space<vmem>>, vector<2000x128xf32>
    %get3A_2 = arith.constant 0 : index
    %get3A_3 = arith.constant 0 : index
    %get3A_4 = vector.load %arg2[%get3A_2, %get3A_3] : memref<128x8xf32, #tpu.memory_space<vmem>>, vector<128x8xf32>
    %dot_general3A = arith.constant dense<0.000000e+00> : vector<2000x8xf32>
    %dot_general3A_5 = tpu.matmul %get3A_1, %get3A_4, %dot_general3A {dimension_numbers = #tpu.dot_dimension_numbers<[1], [0], [0], [1], [0, 0, 1, 1], [], []>, transpose_lhs_hint = false} : vector<2000x128xf32>, vector<128x8xf32>, vector<2000x8xf32> -> vector<2000x8xf32>
    %ge3A = arith.constant 0.000000e+00 : f32
    %ge3A_6 = vector.broadcast %ge3A : f32 to vector<2000x8xf32>
    %ge3A_7 = arith.cmpf oge, %dot_general3A_5, %ge3A_6 : vector<2000x8xf32>
    %mul3A = arith.constant 2.000000e-01 : f32
    %mul3A_8 = vector.broadcast %mul3A : f32 to vector<2000x8xf32>
    %mul3A_9 = arith.mulf %mul3A_8, %dot_general3A_5 : vector<2000x8xf32>
    %select_n3A = arith.select %ge3A_7, %dot_general3A_5, %mul3A_9 : vector<2000x8xi1>, vector<2000x8xf32>
    %get3A_10 = arith.constant 0 : index
    %get3A_11 = arith.constant 0 : index
    %get3A_12 = vector.load %arg3[%get3A_10, %get3A_11] : memref<1x8xf32, #tpu.memory_space<vmem>>, vector<1x8xf32>
    %sub3A = vector.broadcast %get3A_12 : vector<1x8xf32> to vector<2000x8xf32>
    %sub3A_13 = arith.subf %select_n3A, %sub3A : vector<2000x8xf32>
    %exp3A = math.exp %sub3A_13 : vector<2000x8xf32>
    %broadcast_in_dim3A = vector.shape_cast %exp3A : vector<2000x8xf32> to vector<2000x8x1xf32>
    %broadcast_in_dim3A_14 = vector.shape_cast %broadcast_in_dim3A : vector<2000x8x1xf32> to vector<2000x8x1xf32>
    %broadcast_in_dim3A_15 = vector.broadcast %broadcast_in_dim3A_14 : vector<2000x8x1xf32> to vector<2000x8x16xf32>
    %reshape3A = vector.shape_cast %broadcast_in_dim3A_15 : vector<2000x8x16xf32> to vector<2000x128xf32>
    %mul3A_16 = arith.mulf %get3A_1, %reshape3A : vector<2000x128xf32>
    %swap3A = arith.constant 0 : index
    %swap3A_17 = arith.constant 0 : index
    %swap3A_18 = vector.load %arg4[%swap3A, %swap3A_17] : memref<2000x128xf32, #tpu.memory_space<vmem>>, vector<2000x128xf32>
    tpu.vector_store %arg4[%swap3A, %swap3A_17], %mul3A_16 {strides = array<i32>} : memref<2000x128xf32, #tpu.memory_space<vmem>>, vector<2000x128xf32>,
    %swap3A_19 = arith.constant 0 : index
    %swap3A_20 = arith.constant 0 : index
    %swap3A_21 = vector.load %arg5[%swap3A_19, %swap3A_20] : memref<2000x128xf32, #tpu.memory_space<vmem>>, vector<2000x128xf32>
    tpu.vector_store %arg5[%swap3A_19, %swap3A_20], %reshape3A {strides = array<i32>} : memref<2000x128xf32, #tpu.memory_space<vmem>>, vector<2000x128xf32>,
    return
  }
  func.func @transform_0(%arg0: i32) -> (i32, i32) {
    %c0_i32 = arith.constant 0 : i32
    %c0_i32_0 = arith.constant 0 : i32
    return %arg0, %c0_i32 : i32, i32
  }
  func.func @transform_1(%arg0: i32) -> (i32, i32) {
    %c0_i32 = arith.constant 0 : i32
    %c0_i32_0 = arith.constant 0 : i32
    %c0_i32_1 = arith.constant 0 : i32
    return %c0_i32, %c0_i32_0 : i32, i32
  }
  func.func @transform_2(%arg0: i32) -> (i32, i32) {
    %c0_i32 = arith.constant 0 : i32
    %c0_i32_0 = arith.constant 0 : i32
    %c0_i32_1 = arith.constant 0 : i32
    return %c0_i32, %c0_i32_0 : i32, i32
  }
  func.func @transform_3(%arg0: i32) -> (i32, i32) {
    %c0_i32 = arith.constant 0 : i32
    %c0_i32_0 = arith.constant 0 : i32
    return %arg0, %c0_i32 : i32, i32
  }
  func.func @transform_4(%arg0: i32) -> (i32, i32) {
    %c0_i32 = arith.constant 0 : i32
    %c0_i32_0 = arith.constant 0 : i32
    return %arg0, %c0_i32 : i32, i32
  }
}

module attributes {stable_mosaic.version = 14 : i64} {
  func.func @_k5_body(%arg0: i32, %arg1: memref<2000x128xf32, #tpu.memory_space<vmem>>, %arg2: memref<2000x128xf32, #tpu.memory_space<vmem>>, %arg3: memref<2000x128xf32, #tpu.memory_space<vmem>>) attributes {dimension_semantics = [#tpu.dimension_semantics<arbitrary>], iteration_bounds = array<i64: 5>, scalar_prefetch = 0 : i64, scratch_operands = 0 : i64, tpu.core_type = #tpu.core_type<tc>, window_params = [{transform_indices = @transform_0, window_bounds = array<i64: 2000, 128>}, {transform_indices = @transform_1, window_bounds = array<i64: 2000, 128>}, {transform_indices = @transform_2, window_bounds = array<i64: 2000, 128>}]} {
    %get3A = arith.constant 0 : index
    %get3A_0 = arith.constant 0 : index
    %get3A_1 = vector.load %arg1[%get3A, %get3A_0] : memref<2000x128xf32, #tpu.memory_space<vmem>>, vector<2000x128xf32>
    %get3A_2 = arith.constant 0 : index
    %get3A_3 = arith.constant 0 : index
    %get3A_4 = vector.load %arg2[%get3A_2, %get3A_3] : memref<2000x128xf32, #tpu.memory_space<vmem>>, vector<2000x128xf32>
    %add3A = arith.constant 1.000000e-16 : f32
    %add3A_5 = vector.broadcast %add3A : f32 to vector<2000x128xf32>
    %add3A_6 = arith.addf %get3A_4, %add3A_5 : vector<2000x128xf32>
    %div3A = arith.divf %get3A_1, %add3A_6 : vector<2000x128xf32>
    %mul3A = arith.constant 5.000000e-01 : f32
    %mul3A_7 = vector.broadcast %mul3A : f32 to vector<2000x128xf32>
    %mul3A_8 = arith.mulf %div3A, %mul3A_7 : vector<2000x128xf32>
    %mul3A_9 = arith.constant 0.707106769 : f32
    %mul3A_10 = vector.broadcast %mul3A_9 : f32 to vector<2000x128xf32>
    %mul3A_11 = arith.mulf %div3A, %mul3A_10 : vector<2000x128xf32>
    %erf3A = math.erf %mul3A_11 : vector<2000x128xf32>
    %add3A_12 = arith.constant 1.000000e+00 : f32
    %add3A_13 = vector.broadcast %add3A_12 : f32 to vector<2000x128xf32>
    %add3A_14 = arith.addf %add3A_13, %erf3A : vector<2000x128xf32>
    %mul3A_15 = arith.mulf %mul3A_8, %add3A_14 : vector<2000x128xf32>
    %swap3A = arith.constant 0 : index
    %swap3A_16 = arith.constant 0 : index
    %swap3A_17 = vector.load %arg3[%swap3A, %swap3A_16] : memref<2000x128xf32, #tpu.memory_space<vmem>>, vector<2000x128xf32>
    tpu.vector_store %arg3[%swap3A, %swap3A_16], %mul3A_15 {strides = array<i32>} : memref<2000x128xf32, #tpu.memory_space<vmem>>, vector<2000x128xf32>,
    return
  }
  func.func @transform_0(%arg0: i32) -> (i32, i32) {
    %c0_i32 = arith.constant 0 : i32
    %c0_i32_0 = arith.constant 0 : i32
    return %arg0, %c0_i32 : i32, i32
  }
  func.func @transform_1(%arg0: i32) -> (i32, i32) {
    %c0_i32 = arith.constant 0 : i32
    %c0_i32_0 = arith.constant 0 : i32
    return %arg0, %c0_i32 : i32, i32
  }
  func.func @transform_2(%arg0: i32) -> (i32, i32) {
    %c0_i32 = arith.constant 0 : i32
    %c0_i32_0 = arith.constant 0 : i32
    return %arg0, %c0_i32 : i32, i32
  }
}

</mosaic_0001>

<sc_bundles>
// kernel: kernel.11.cloned.1.call-start
scs
__scs_entry_jumppad:
0x0: {  	(pc) =	sbr.rel $0x88, $3  }
0x1: {  	(tag) =	ssettag $0x0;
	lr =	simm.s32 $0x1  }
0x2: {  	[smem:$0x3F9C] =	sst lr;
	_ =	strace $0xD0000000  }
0x3: {  	_ = 	snop  }
0x4: {  	_ = 	snop  }
0x5: {  	_ = 	snop  }
0x6: {  	_ = 	snop  }
0x7: {  	_ = 	snop  }
__scs_overlays_trampoline_lowered:
0x8: {  	[smem:$0x3FAB] =	sst s0  }
0x9: {  	[smem:$0x3FAC] =	sst s1  }
0xa: {  	[smem:$0x3FAD] =	sst s2  }
0xb: {  	[smem:$0x3FAE] =	sst s3  }
0xc: {  	[smem:$0x3FAF] =	sst s4  }
0xd: {  	[smem:$0x3FB0] =	sst s5  }
0xe: {  	[smem:$0x3FB1] =	sst s6  }
0xf: {  	[smem:$0x3FB2] =	sst s7  }
0x10: {  	[smem:$0x3FB3] =	sst s8  }
0x11: {  	[smem:$0x3FB4] =	sst s9;
	s0 =	simm.s32 @!p0 $0x0  }
0x12: {  	s1 =	sld [smem:$0x3F9A];
	s0 =	simm.s32 @p0 $0x1  }
0x13: {  	[smem:$0x3FB5] =	sst s0;
	s0 =	simm.s32 @!p1 $0x0  }
0x14: {  	s2 =	sld [smem:$0x3F99];
	s0 =	simm.s32 @p1 $0x1  }
0x15: {  	[smem:$0x3FB6] =	sst s0;
	s0 =	simm.s32 @!p2 $0x0  }
0x16: {  	s3 =	sld [smem:$0x3FDB];
	s0 =	simm.s32 @p2 $0x1  }
0x17: {  	s4 =	simm.s32 $0x1BF5;
	[smem:$0x3FB8] =	sst s0  }
0x18: {  	s0 =	sld [smem:$0x3F9B];
	_ =	swait.ge [sflag:s4], $0x0  }
0x19: {  	s7 =	sld [smem:$0x3F9C]  }
0x1a: {  	s8 =	sadd.s32 $0xFFFFE003, lr  }
0x1b: {  	s9 =	sadd.s32 $0xFFFFFEF7, lr;
	s5 =	simm.s32 $0xFFFFFFFF;
	p2 =	slt.u32 s8, $0xFFFFF086  }
0x1c: {  	p1 =	slt.u32 s9, $0xF7A;
	s5 =	simm.s32 @!p2 $0x0  }
0x1d: {  	s5 =	simm.s32 @p1 $0x1;
	p0 =	seq.s32 s7, s2  }
0x1e: {  	s7 =	smul.u32 @!p0 $0xF7A, s2;
	p2 =	seq.s32 @!p0 s5, $0x0  }
0x1f: {  	s9 =	smul.u32 $0xF7A, s1;
	s8 =	simm.s32 @!p0 $0x1BF5;
	p2 =	por !p2, p0  }
0x20: {  	[sflag:s8] =	ssyncset.s32 @!p0 $0xFFFFF086;
	s6 =	sadd.s32 @!p0 s3, s7;
	s7 =	simm.s32 @!p0 $0x108  }
0x21: {  	s3 =	sadd.s32 s3, s9;
	s6 =	sadd.s32 @!p0 $0x88, s6;
	s7 =	simm.s32 @p2 $0x1082  }
0x22: {  	[simem:s7], [sflag:s8] =	dma.local @!p0 [hbm:s6], $0xF7A  }
0x23: {  	s9 =	sor.u32 $0xD0000000, s2;
	s6 =	simm.s32 $0x108;
	_ =	swait.ge @!p0 [sflag:s8], $0x0  }
0x24: {  	s3 =	sadd.s32 $0x88, s3;
	s6 =	simm.s32 @!p1 $0x1082;
	[sflag:s4] =	ssyncset.s32 $0xFFFFF086  }
0x25: {  	[simem:s6], [sflag:s4] =	dma.local [hbm:s3], $0xF7A  }
0x26: {  	[smem:$0x3F9C] =	sst s1;
	(tag) =	ssettag s2;
	_ =	strace s9  }
0x27: {  	s1 =	sld [smem:$0x3FAC]  }
0x28: {  	s2 =	sld [smem:$0x3FAD]  }
0x29: {  	s4 =	sld [smem:$0x3FAF]  }
0x2a: {  	p0 =	seq.s32 s5, $0x0;
	s5 =	sld [smem:$0x3FB0]  }
0x2b: {  	s6 =	sld [smem:$0x3FB1]  }
0x2c: {  	s7 =	sld [smem:$0x3FB2]  }
0x2d: {  	s3 =	simm.s32 $0x108;
	s8 =	sld [smem:$0x3FB3]  }
0x2e: {  	s3 =	simm.s32 @!p0 $0x1082;
	s9 =	sld [smem:$0x3FB4]  }
0x2f: {  	lr =	sadd.s32 s0, s3;
	s0 =	sld [smem:$0x3FAB]  }
0x30: {  	s3 =	sld [smem:$0x3FAE]  }
0x31: {  	[smem:$0x3FB7] =	sst s10  }
0x32: {  	s10 =	sld [smem:$0x3FB5];
	_ =	sdelay $0x3  }
0x33: {  	p0 =	seq.s32 s10, $0x1;
	s10 =	sld [smem:$0x3FB7];
	_ =	sdelay $0x3  }
0x34: {  	[smem:$0x3FB7] =	sst s10  }
0x35: {  	s10 =	sld [smem:$0x3FB6];
	_ =	sdelay $0x3  }
0x36: {  	p1 =	seq.s32 s10, $0x1;
	s10 =	sld [smem:$0x3FB7];
	_ =	sdelay $0x3  }
0x37: {  	[smem:$0x3FB7] =	sst s10  }
0x38: {  	s10 =	sld [smem:$0x3FB8]  }
0x39: {  	_ = 	snop;
	(pc) =	sbr.ind lr, $3  }
0x3a: {  	_ = 	snop  }
0x3b: {  	_ = 	snop  }
0x3c: {  	p2 =	seq.s32 s10, $0x1;
	s10 =	sld [smem:$0x3FB7]  }
0x3d: {  	_ =	shalt  }
0x3e: {  	_ =	shalt  }
0x3f: {  	_ =	shalt  }
0x40: {  	_ =	shalt  }
0x41: {  	_ =	shalt  }
0x42: {  	_ =	shalt  }
0x43: {  	_ =	shalt  }
0x44: {  	_ =	shalt  }
0x45: {  	_ =	shalt  }
0x46: {  	_ =	shalt  }
0x47: {  	_ =	shalt  }
0x48: {  	_ =	shalt  }
0x49: {  	_ =	shalt  }
0x4a: {  	_ =	shalt  }
0x4b: {  	_ =	shalt  }
0x4c: {  	_ =	shalt  }
0x4d: {  	_ =	shalt  }
0x4e: {  	_ =	shalt  }
0x4f: {  	_ =	shalt  }
0x50: {  	_ =	shalt  }
0x51: {  	_ =	shalt  }
0x52: {  	_ =	shalt  }
0x53: {  	_ =	shalt  }
0x54: {  	_ =	shalt  }
0x55: {  	_ =	shalt  }
0x56: {  	_ =	shalt  }
0x57: {  	_ =	shalt  }
0x58: {  	_ =	shalt  }
0x59: {  	_ =	shalt  }
0x5a: {  	_ =	shalt  }
0x5b: {  	_ =	shalt  }
0x5c: {  	_ =	shalt  }
0x5d: {  	_ =	shalt  }
0x5e: {  	_ =	shalt  }
0x5f: {  	_ =	shalt  }
0x60: {  	_ =	shalt  }
0x61: {  	_ =	shalt  }
0x62: {  	_ =	shalt  }
0x63: {  	_ =	shalt  }
0x64: {  	_ =	shalt  }
0x65: {  	_ =	shalt  }
0x66: {  	_ =	shalt  }
0x67: {  	_ =	shalt  }
0x68: {  	_ =	shalt  }
0x69: {  	_ =	shalt  }
0x6a: {  	_ =	shalt  }
0x6b: {  	_ =	shalt  }
0x6c: {  	_ =	shalt  }
0x6d: {  	_ =	shalt  }
0x6e: {  	_ =	shalt  }
0x6f: {  	_ =	shalt  }
0x70: {  	_ =	shalt  }
0x71: {  	_ =	shalt  }
0x72: {  	_ =	shalt  }
0x73: {  	_ =	shalt  }
0x74: {  	_ =	shalt  }
0x75: {  	_ =	shalt  }
0x76: {  	_ =	shalt  }
0x77: {  	_ =	shalt  }
0x78: {  	_ =	shalt  }
0x79: {  	_ =	shalt  }
0x7a: {  	_ =	shalt  }
0x7b: {  	_ =	shalt  }
0x7c: {  	_ =	shalt  }
0x7d: {  	_ =	shalt  }
0x7e: {  	_ =	shalt  }
0x7f: {  	_ =	shalt  }
0x80: {  	_ =	shalt  }
0x81: {  	_ =	shalt  }
0x82: {  	_ =	shalt  }
0x83: {  	_ =	shalt  }
0x84: {  	_ =	shalt  }
0x85: {  	_ =	shalt  }
0x86: {  	_ =	shalt  }
0x87: {  	_ =	shalt  }
.Lfunc_end0:
.L_simem_size_0:
called_computation.1_lowered:
.L_overlay_start_0:
0x88: {  	s2 =	sld [smem:$0x3FD9]  }
0x89: {  	s3 =	sld [smem:$0x3FFE];
	_ =	sdelay $0x1  }
0x8a: {  	s1 =	srdreg.scid  }
0x8b: {  	s0 =	sand.u32 $0x1, s1  }
0x8c: {  	s17 =	sshll.u32 s0, $0xA;
	s2 =	sadd.s32 s3, s2  }
0x8d: {  	s2 =	sadd.s32 s2, s17  }
0x8e: {  	[smem:$0x3FC3] =	sst s2  }
0x8f: {  	_ = 	snop  }
0x90: {  	s2 =	sld [smem:$0x3FC8]  }
0x91: {  	s18 =	sld [smem:$0x3FC7]  }
0x92: {  	s4 =	sld [smem:$0x3FD0];
	(tm) =	ssettm $0x1  }
0x93: {  	s5 =	sld [smem:$0x3FFB];
	_ =	sdelay $0x3  }
0x94: {  	_ =	strace s5  }
0x95: {  	s5 =	sld [smem:$0x3FFC];
	_ =	sdelay $0x3  }
0x96: {  	_ =	strace s5  }
0x97: {  	s5 =	sld [smem:$0x3FFD];
	_ =	sdelay $0x3  }
0x98: {  	_ =	strace s5  }
0x99: {  	_ =	strace $0x8FFFFFFF  }
0x9a: {  	s19 =	sld [smem:$0x3FDB];
	_ =	sdelay $0x1  }
0x9b: {  	s6 =	simm.s32 $_scs_section_size  }
0x9c: {  	s7 =	simm.s32 $_size__tile_overlayer_lowered;
	s8 =	simm.s32 $_tile_overlayer_lowered  }
0x9d: {  	s22 =	simm.s32 $0x1BFF;
	s21 =	sshll.u32 s8, $0x1;
	s5 =	sadd.s32 s6, s19  }
0x9e: {  	s9 =	simm.s32 $0x0;
	s20 =	sshll.u32 s7, $0x1;
	s7 =	sadd.s32 s21, s5  }
0x9f: {  	[timem:s9], [sflag:s22] =	dma.local [hbm:s7], s20  }
0xa0: {  	_ =	swait.ge [sflag:s22], s20  }
0xa1: {  	s6 =	ssub.s32 $0x0, s20;
	[sflag:s22] =	ssyncset.done $0x0  }
0xa2: {  	[sflag:s22] =	ssyncadd.s32 s6;
	_ =	sdelay $0x1  }
0xa3: {  	s23 =	simm.s32 $0x1B8B  }
0xa4: {  	_ =	swait.ge [sflag:s23], $0x1  }
0xa5: {  	[sflag:s23] =	ssyncset.done $0x0  }
0xa6: {  	s25 =	simm.s32 $0x1B8E;
	s24 =	sld [smem:$0x3FFE];
	[sflag:s23] =	ssyncadd.s32 $0xFFFFFFFF  }
0xa7: {  	s26 =	simm.s32 $execute0_lowered;
	[smem:$0x3FD2] =	sst s25  }
0xa8: {  	s7 =	sshll.u32 s26, $0x1;
	_ =	strace $0x80000049;
	[dreg:$0x1] =	wrdreg $0xFFFFFFFF  }
0xa9: {  	s28 =	simm.s32 $_size_execute0_lowered;
	s5 =	sadd.s32 s5, s7;
	[dreg:$0x0] =	wrdreg $0x0  }
0xaa: {  	s7 =	sshll.u32 s28, $0x1;
	[dreg:$0x2] =	wrdreg s5  }
0xab: {  	[dreg:$0x3] =	wrdreg s7  }
0xac: {  	[dreg:$0x4] =	wrdreg $0xC0  }
0xad: {  	_ =	task [dreg:s9], $0x5FFFF  }
0xae: {  	[dreg:$0x1] =	wrdreg $0xFFFFFFFF  }
0xaf: {  	[dreg:$0x0] =	wrdreg $0x60  }
0xb0: {  	[dreg:$0x2] =	wrdreg s24  }
0xb1: {  	[dreg:$0x3] =	wrdreg s2  }
0xb2: {  	[dreg:$0x4] =	wrdreg s18  }
0xb3: {  	[dreg:$0x5] =	wrdreg s4  }
0xb4: {  	[dreg:$0x6] =	wrdreg $0x51800  }
0xb5: {  	[dreg:$0x7] =	wrdreg $0x9  }
0xb6: {  	_ =	task.clear_ibuf [dreg:s9], $0x8FFFF;
	_ =	strace $0x90000049  }
0xb7: {  	s29 =	simm.s32 $0x9;
	_ =	strace $0x8000004B  }
0xb8: {  	_ =	swait.ge [sflag:s29], $0x1  }
0xb9: {  	[sflag:s29] =	ssyncadd.s32 $0xFFFFFFFF  }
0xba: {  	_ =	strace $0x9000004B  }
0xbb: {  	_ =	sfence  }
0xbc: {  	s30 =	sld [smem:$0x0];
	_ =	sdelay $0x2  }
0xbd: {  	s31 =	sshll.u32 s1, $0xD;
	s1 =	sshrl.u32 s1, $0x2  }
0xbe: {  	s3 =	sand.u32 $0x4000, s31;
	s1 =	sadd.s32 s1, s30  }
0xbf: {  	s0 =	sor.u32 s3, s0;
	s1 =	sshll.u32 s1, $0x11  }
0xc0: {  	s0 =	sor.u32 s1, s0  }
0xc1: {  	s0 =	sadd.s32 $0x8F2B, s0  }
0xc2: {  	[sflag:s0] =	ssyncadd.remote.s32 $0x1  }
0xc3: {  	_ =	sfence.sel $0xFFFF  }
0xc4: {  	[dreg:$0x0] =	wrdreg $0xFFFFFFFF;
	(pc) =	sbr.abs _section_cstart, $3  }
0xc5: {  	[dreg:$0x1] =	wrdreg $0xFFFFFFFF  }
0xc6: {  	_ =	task.clear_ibuf [dreg:s9], $0x2FFFF;
	_ =	strace $0x9FFFFFFF  }
0xc7: {  	(tm) =	ssettm $0x7FFFFFFF  }
tec
execute0_lowered:
.L_overlay_start_1:
0x0: {  	(tag) =	ssettag $0x1  }
0x1: {  	s0 =	rddreg [dreg:$0x0]  }
0x2: {  	s3 =	rddreg [dreg:$0x1]  }
0x3: {  	s7 =	rddreg [dreg:$0x2]  }
0x4: {  	s8 =	rddreg [dreg:$0x3]  }
0x5: {  	s1 =	rddreg [dreg:$0x4];
	s2 =	simm.s32 $0x0  }
0x6: {  	s4 =	srdreg.scid;
	s21 =	stileid.u32;
	s28 =	simm.s32 $0x80  }
0x7: {  	s29 =	simm.s32 $0x50;
	s30 =	simm.s32 $0x1;
	s10 =	smul.u32 $0x138, s21  }
0x8: {  	[smem:$0x7FF] =	sst s2;
	s6 =	sand.u32 $0x1, s4;
	s12 =	smul.u32 $0x27000, s21  }
0x9: {  	s4 =	sadd.s32 $0x3400, s0;
	s5 =	sadd.s32 $0x51600, s0;
	s24 =	smul.u32 $0x50000, s21  }
0xa: {  	s0 =	sadd.s32 $0x9F800, s0;
	s26 =	smul.u32 $0x9C4, s21;
	p0 =	sne.s32 s21, $0x0  }
0xb: {  	_ =	strace $0x8000004A;
	s31 =	smul.u32 $0x1388, s6;
	s9 =	ssub.s32 $0x2, s6  }
0xc: {  	s20 =	smul.u32 $0x9C400, s6;
	s11 =	sshrl.u32 s9, $0x1;
	s19 =	sshrl.u32 s12, $0x2  }
0xd: {  	s13 =	ssub.s32 s9, s11;
	s18 =	sadd.s32 s10, s31;
	s6 =	sadd.s32 s19, s1  }
0xe: {  	s25 =	sshrl.u32 s20, $0x3;
	s10 =	sshrl.u32 s24, $0x2;
	s19 =	sadd.s32 s26, s3  }
0xf: {  	s20 =	sadd.s32 s26, s7;
	s26 =	simm.s32 $0x2;
	v0 =	vmov s31;
	s31 =	simm.s32 $0x2980  }
0x10: {  	s3 =	simm.s32 $0x0;
	s9 =	sshll.u32 s18, $0x4;
	s22 =	sadd.s32 $0xA0000, s6  }
0x11: {  	s11 =	sadd.s32 $0x13800, s25;
	s10 =	sadd.s32 s10, s1;
	s12 =	smax.u32 s13, $0x1  }
0x12: {  	s25 =	simm.s32 $0x180;
	s23 =	sadd.s32 s8, s9;
	s9 =	sadd.s32 s0, s9  }
0x13: {  	s8 =	sadd.s32 s8, s11;
	s11 =	sadd.s32 s0, s11;
	s13 =	sadd.s32 $0x2800, s10  }
0x14: {  	s14 =	sadd.s32 $0x5000, s10;
	s15 =	sadd.s32 $0x7800, s10;
	s16 =	sadd.s32 $0xA000, s10  }
0x15: {  	s17 =	sadd.s32 $0xC800, s10;
	s18 =	sadd.s32 $0xF000, s10;
	s21 =	sadd.s32 $0x11800, s10  }
0x16: {  	s22 =	sshrl.u32 s22, $0x3;
	s0 =	simm.s32 $0x100;
	[dreg:$0x6] =	wrdreg s23  }
0x17: {  	s23 =	sadd.s32 $0x9C000, s1;
	[dreg:$0x8] =	wrdreg s8;
	s8 =	sadd.s32 $0x13C000, s1  }
0x18: {  	v1 =	vimm.f32 $0.0e+00;
	[dreg:$0x7] =	wrdreg s9;
	s23 =	sshrl.u32 @!p0 s23, $0x3;
	s24 =	sshrl.u32 @!p0 s8, $0x3  }
.LBB2_1:
0x19: {  	s7 =	simm.s32 $0x0;
	s8 =	simm.s32 $0x200  }
.LBB2_2:
0x1a: {  	p1 =	sne.s32 s8, $0x9E00;
	[tilespmem:s7+$0x1F0] =	vst v1  }
0x1b: {  	[tilespmem:s7+$0x180] =	vst v1  }
0x1c: {  	[tilespmem:s7+$0x190] =	vst v1  }
.Ltmp0:
0x1d: {  	[tilespmem:s7+$0x1A0] =	vst v1;
	(pc) =	sbr.rel @p1 .LBB2_2-.Ltmp0, $4  }
0x1e: {  	[tilespmem:s7+$0x1B0] =	vst v1  }
0x1f: {  	[tilespmem:s7+$0x1C0] =	vst v1  }
0x20: {  	[tilespmem:s7+$0x1D0] =	vst v1  }
0x21: {  	[tilespmem:s7+$0x1E0] =	vst v1;
	s7 =	sshra.s32 s8, $0x2;
	s8 =	sadd.s32 $0x200, s8  }
0x22: {  	[tilespmem:s7+$0x1F0] =	vst v1  }
0x23: {  	[tilespmem:s7+$0x180] =	vst v1  }
0x24: {  	[tilespmem:s7+$0x190] =	vst v1  }
0x25: {  	[tilespmem:s7+$0x1A0] =	vst v1  }
0x26: {  	[tilespmem:s7+$0x1B0] =	vst v1  }
0x27: {  	[tilespmem:s7+$0x1C0] =	vst v1  }
0x28: {  	[tilespmem:s7+$0x1D0] =	vst v1  }
0x29: {  	[tilespmem:s7+$0x1E0] =	vst v1  }
0x2a: {  	[spmem:s10] =	stream.linear.scatter [tilespmem:s25], [sflag:$0x2], $0x2800, $0x38;
	[tilespmem:$0x19180] =	vst v63  }
0x2b: {  	_ =	swait.ge [sflag:s26], $0x2800  }
0x2c: {  	[sflag:s26] =	ssyncset.done $0x0  }
0x2d: {  	[sflag:s26] =	ssyncadd.s32 $0xFFFFD800  }
0x2e: {  	[spmem:s13] =	stream.linear.scatter [tilespmem:s25], [sflag:$0x2], $0x2800, $0x38;
	[tilespmem:$0x19180] =	vst v63  }
0x2f: {  	_ =	swait.ge [sflag:s26], $0x2800  }
0x30: {  	[sflag:s26] =	ssyncset.done $0x0  }
0x31: {  	[sflag:s26] =	ssyncadd.s32 $0xFFFFD800  }
0x32: {  	[spmem:s14] =	stream.linear.scatter [tilespmem:s25], [sflag:$0x2], $0x2800, $0x38;
	[tilespmem:$0x19180] =	vst v63  }
0x33: {  	_ =	swait.ge [sflag:s26], $0x2800  }
0x34: {  	[sflag:s26] =	ssyncset.done $0x0  }
0x35: {  	[sflag:s26] =	ssyncadd.s32 $0xFFFFD800  }
0x36: {  	[spmem:s15] =	stream.linear.scatter [tilespmem:s25], [sflag:$0x2], $0x2800, $0x38;
	[tilespmem:$0x19180] =	vst v63  }
0x37: {  	_ =	swait.ge [sflag:s26], $0x2800  }
0x38: {  	[sflag:s26] =	ssyncset.done $0x0  }
0x39: {  	[sflag:s26] =	ssyncadd.s32 $0xFFFFD800  }
0x3a: {  	[spmem:s16] =	stream.linear.scatter [tilespmem:s25], [sflag:$0x2], $0x2800, $0x38;
	[tilespmem:$0x19180] =	vst v63  }
0x3b: {  	_ =	swait.ge [sflag:s26], $0x2800  }
0x3c: {  	[sflag:s26] =	ssyncset.done $0x0  }
0x3d: {  	[sflag:s26] =	ssyncadd.s32 $0xFFFFD800  }
0x3e: {  	[spmem:s17] =	stream.linear.scatter [tilespmem:s25], [sflag:$0x2], $0x2800, $0x38;
	[tilespmem:$0x19180] =	vst v63  }
0x3f: {  	_ =	swait.ge [sflag:s26], $0x2800  }
0x40: {  	[sflag:s26] =	ssyncset.done $0x0  }
0x41: {  	[sflag:s26] =	ssyncadd.s32 $0xFFFFD800  }
0x42: {  	[spmem:s18] =	stream.linear.scatter [tilespmem:s25], [sflag:$0x2], $0x2800, $0x38;
	[tilespmem:$0x19180] =	vst v63  }
0x43: {  	_ =	swait.ge [sflag:s26], $0x2800  }
0x44: {  	[sflag:s26] =	ssyncset.done $0x0  }
0x45: {  	[sflag:s26] =	ssyncadd.s32 $0xFFFFD800  }
0x46: {  	[spmem:s21] =	stream.linear.scatter [tilespmem:s25], [sflag:$0x2], $0x2800, $0x38;
	[tilespmem:$0x19180] =	vst v63  }
0x47: {  	_ =	swait.ge [sflag:s26], $0x2800  }
0x48: {  	[sflag:s26] =	ssyncset.done $0x0  }
0x49: {  	[sflag:s26] =	ssyncadd.s32 $0xFFFFD800  }
0x4a: {  	s8 =	sadd.s32 $0x0, s20;
	[bflag:$0x0] =	sbarrier.arrive $0xFFFF  }
0x4b: {  	[tilespmem:s2], [sflag:$0x2] =	stream.linear.gather [hbm4b:s8+s2], $0x50, $0x38;
	[tilespmem:$0x19180] =	vst v63  }
0x4c: {  	_ =	swait.ge [sflag:s26], $0x50  }
0x4d: {  	[sflag:s26] =	ssyncset.done $0x0  }
0x4e: {  	s9 =	sadd.s32 $0x0, s19;
	[sflag:s26] =	ssyncadd.s32 $0xFFFFFFB0  }
0x4f: {  	[tilespmem:s28], [sflag:$0x2] =	stream.linear.gather [hbm4b:s9+s2], $0x50, $0x38;
	[tilespmem:$0x19180] =	vst v63  }
0x50: {  	_ =	swait.ge [sflag:s26], $0x50  }
0x51: {  	[sflag:s26] =	ssyncset.done $0x0  }
0x52: {  	[sflag:s26] =	ssyncadd.s32 $0xFFFFFFB0  }
0x53: {  	v2 =	vld [tilespmem:$0xC0]  }
0x54: {  	v3 =	vld [tilespmem:$0xB0]  }
0x55: {  	v4 =	vld [tilespmem:$0xA0]  }
0x56: {  	v5 =	vld [tilespmem:$0x80];
	_ =	sdelay $0x1  }
0x57: {  	v2 =	vsub.s32 v2, v0  }
0x58: {  	v6 =	vld [tilespmem:$0x90];
	v3 =	vsub.s32 v3, v0;
	v2 =	vmin.u32 v2, $0x1388  }
0x59: {  	v4 =	vsub.s32 v4, v0;
	v3 =	vmin.u32 v3, $0x1388;
	[tilespmem:$0xC0] =	vst v2  }
0x5a: {  	v5 =	vsub.s32 v5, v0;
	v4 =	vmin.u32 v4, $0x1388;
	[tilespmem:$0xB0] =	vst v3  }
0x5b: {  	v5 =	vmin.u32 v5, $0x1388;
	[tilespmem:$0xA0] =	vst v4  }
0x5c: {  	v2 =	vadd.s32 $0x1400, v2;
	[tilespmem:$0x80] =	vst v5  }
0x5d: {  	v6 =	vsub.s32 v6, v0;
	v3 =	vadd.s32 $0x1400, v3;
	[tilespmem:$0x140] =	vst v2  }
0x5e: {  	v2 =	vmin.u32 v6, $0x1388;
	[tilespmem:$0x130] =	vst v3  }
0x5f: {  	v3 =	vadd.s32 $0x1400, v5;
	[tilespmem:$0x90] =	vst v2  }
0x60: {  	v2 =	vadd.s32 $0x1400, v2;
	[tilespmem:$0x100] =	vst v3  }
0x61: {  	[tilespmem:$0x110] =	vst v2;
	v2 =	vadd.s32 $0x1400, v4  }
0x62: {  	[tilespmem:$0x120] =	vst v2  }
0x63: {  	[tilespmem:s25], [sflag:$0x1] =	stream.indirect.gather [hbm4b:s4+s29], $0x80, s2, s29, $0xb8;
	[tilespmem:$0x19180] =	vst v63  }
0x64: {  	_ =	swait.ge [sflag:s30], $0x2800  }
0x65: {  	[sflag:s30] =	ssyncset.done $0x0  }
0x66: {  	[sflag:s30] =	ssyncadd.s32 $0xFFFFD800  }
0x67: {  	[spmem:s1] =	stream.indirect.scatter.add.f32 [tilespmem:s25], [sflag:$0x2], $0x80, s28, s29, $0xb8;
	[tilespmem:$0x19180] =	vst v63  }
0x68: {  	_ =	swait.ge [sflag:s26], $0x2800  }
0x69: {  	s7 =	simm.s32 $0xA;
	[sflag:s26] =	ssyncset.done $0x0  }
.LBB2_4:
0x6a: {  	p1 =	sne.s32 s7, $0x9BA  }
0x6b: {  	[sflag:s26] =	ssyncadd.s32 $0xFFFFD800;
	s8 =	smov.u32 s7;
	s7 =	sadd.s32 $0xA, s7  }
0x6c: {  	[tilespmem:s31], [sflag:$0x1] =	stream.indirect.gather [hbm4b:s5+s29], $0x80, s2, s29, $0xb8;
	[tilespmem:$0x19180] =	vst v63  }
0x6d: {  	_ =	swait.ge [sflag:s30], $0x2800  }
0x6e: {  	[sflag:s30] =	ssyncset.done $0x0  }
0x6f: {  	[sflag:s30] =	ssyncadd.s32 $0xFFFFD800  }
0x70: {  	[spmem:s1] =	stream.indirect.scatter.add.f32 [tilespmem:s31], [sflag:$0x2], $0x80, s0, s29, $0xb8;
	[tilespmem:$0x19180] =	vst v63  }
0x71: {  	_ =	swait.ge [sflag:s26], $0x2800  }
0x72: {  	[sflag:s26] =	ssyncset.done $0x0  }
0x73: {  	s9 =	sadd.s32 s8, s20;
	[sflag:s26] =	ssyncadd.s32 $0xFFFFD800  }
0x74: {  	[tilespmem:s2], [sflag:$0x2] =	stream.linear.gather [hbm4b:s9+s2], $0x50, $0x38;
	[tilespmem:$0x19180] =	vst v63  }
0x75: {  	_ =	swait.ge [sflag:s26], $0x50  }
0x76: {  	[sflag:s26] =	ssyncset.done $0x0  }
0x77: {  	s8 =	sadd.s32 s8, s19;
	[sflag:s26] =	ssyncadd.s32 $0xFFFFFFB0  }
0x78: {  	[tilespmem:s28], [sflag:$0x2] =	stream.linear.gather [hbm4b:s8+s2], $0x50, $0x38;
	[tilespmem:$0x19180] =	vst v63  }
0x79: {  	_ =	swait.ge [sflag:s26], $0x50  }
0x7a: {  	[sflag:s26] =	ssyncset.done $0x0  }
0x7b: {  	[sflag:s26] =	ssyncadd.s32 $0xFFFFFFB0  }
0x7c: {  	v2 =	vld [tilespmem:$0xC0]  }
0x7d: {  	v3 =	vld [tilespmem:$0xB0]  }
0x7e: {  	v4 =	vld [tilespmem:$0xA0]  }
0x7f: {  	v5 =	vld [tilespmem:$0x80]  }
0x80: {  	v6 =	vld [tilespmem:$0x90]  }
0x81: {  	v2 =	vsub.s32 v2, v0  }
0x82: {  	v3 =	vsub.s32 v3, v0;
	v2 =	vmin.u32 v2, $0x1388  }
0x83: {  	v4 =	vsub.s32 v4, v0;
	v3 =	vmin.u32 v3, $0x1388;
	[tilespmem:$0xC0] =	vst v2;
	v2 =	vadd.s32 $0x1400, v2  }
0x84: {  	v5 =	vsub.s32 v5, v0;
	v4 =	vmin.u32 v4, $0x1388;
	[tilespmem:$0xB0] =	vst v3;
	v3 =	vadd.s32 $0x1400, v3  }
0x85: {  	v5 =	vmin.u32 v5, $0x1388;
	v6 =	vsub.s32 v6, v0;
	[tilespmem:$0xA0] =	vst v4;
	v4 =	vadd.s32 $0x1400, v4  }
0x86: {  	v7 =	vadd.s32 $0x1400, v5;
	v6 =	vmin.u32 v6, $0x1388;
	[tilespmem:$0x140] =	vst v2  }
0x87: {  	[tilespmem:$0x80] =	vst v5;
	v2 =	vadd.s32 $0x1400, v6  }
0x88: {  	[tilespmem:$0x90] =	vst v6  }
0x89: {  	[tilespmem:$0x130] =	vst v3  }
0x8a: {  	[tilespmem:$0x110] =	vst v2  }
0x8b: {  	[tilespmem:$0x100] =	vst v7  }
0x8c: {  	[tilespmem:$0x120] =	vst v4  }
0x8d: {  	[tilespmem:s25], [sflag:$0x1] =	stream.indirect.gather [hbm4b:s4+s29], $0x80, s2, s29, $0xb8;
	[tilespmem:$0x19180] =	vst v63  }
0x8e: {  	_ =	swait.ge [sflag:s30], $0x2800  }
.Ltmp1:
0x8f: {  	[sflag:s30] =	ssyncset.done $0x0;
	(pc) =	sbr.rel @p1 .LBB2_4-.Ltmp1, $4  }
0x90: {  	[sflag:s30] =	ssyncadd.s32 $0xFFFFD800  }
0x91: {  	[spmem:s1] =	stream.indirect.scatter.add.f32 [tilespmem:s25], [sflag:$0x2], $0x80, s28, s29, $0xb8;
	[tilespmem:$0x19180] =	vst v63  }
0x92: {  	_ =	swait.ge [sflag:s26], $0x2800  }
0x93: {  	[sflag:s26] =	ssyncset.done $0x0  }
0x94: {  	[sflag:s26] =	ssyncadd.s32 $0xFFFFD800  }
0x95: {  	[tilespmem:s31], [sflag:$0x1] =	stream.indirect.gather [hbm4b:s5+s29], $0x80, s2, s29, $0xb8;
	[tilespmem:$0x19180] =	vst v63  }
0x96: {  	_ =	swait.ge [sflag:s30], $0x2800  }
0x97: {  	[sflag:s30] =	ssyncset.done $0x0  }
0x98: {  	[sflag:s30] =	ssyncadd.s32 $0xFFFFD800  }
0x99: {  	[spmem:s1] =	stream.indirect.scatter.add.f32 [tilespmem:s31], [sflag:$0x2], $0x80, s0, s29, $0xb8;
	[tilespmem:$0x19180] =	vst v63  }
0x9a: {  	_ =	swait.ge [sflag:s26], $0x2800  }
0x9b: {  	[sflag:s26] =	ssyncset.done $0x0  }
0x9c: {  	s7 =	stileid.u32;
	[sflag:s26] =	ssyncadd.s32 $0xFFFFD800  }
0x9d: {  	s7 =	sshll.u32 s7, $0x6;
	[bflag:$0x0] =	sbarrier.arrive $0xFFFF  }
0x9e: {  	s8 =	sshrl.u32 s6, $0x3;
	s7 =	sor.u32 $0x1C02, s7;
	s9 =	rddreg [dreg:$0x6]  }
0x9f: {  	[hbm:s9], [sflag:s7] =	dma.local [spmem:s8], $0x1380  }
0xa0: {  	_ =	swait.ge [sflag:s26], $0x1380  }
0xa1: {  	[sflag:s26] =	ssyncset.done $0x0  }
0xa2: {  	s9 =	rddreg [dreg:$0x7];
	[sflag:s26] =	ssyncadd.s32 $0xFFFFEC80  }
0xa3: {  	[hbm:s9], [sflag:s7] =	dma.local [spmem:s22], $0x1380  }
0xa4: {  	_ =	swait.ge [sflag:s26], $0x1380  }
0xa5: {  	[sflag:s26] =	ssyncset.done $0x0  }
0xa6: {  	s8 =	rddreg [dreg:$0x8];
	[sflag:s26] =	ssyncadd.s32 $0xFFFFEC80  }
0xa7: {  	[hbm:s8], [sflag:s7] =	dma.local @!p0 [spmem:s23], $0x80  }
0xa8: {  	s8 =	simm.s32 @!p0 $0x2  }
0xa9: {  	s3 =	sadd.s32 $0x1, s3;
	_ =	swait.ge @!p0 [sflag:s8], $0x80  }
0xaa: {  	p1 =	sne.s32 s3, s12;
	[sflag:s8] =	ssyncset.done @!p0 $0x0  }
.Ltmp2:
0xab: {  	[sflag:s8] =	ssyncadd.s32 @!p0 $0xFFFFFF80;
	(pc) =	sbr.rel @p1 .LBB2_1-.Ltmp2, $4  }
0xac: {  	[hbm:s11], [sflag:s7] =	dma.local @!p0 [spmem:s24], $0x80  }
0xad: {  	_ =	swait.ge @!p0 [sflag:s8], $0x80  }
0xae: {  	[sflag:s8] =	ssyncset.done @!p0 $0x0  }
0xaf: {  	[sflag:s8] =	ssyncadd.s32 @!p0 $0xFFFFFF80  }
0xb0: {  	_ =	sfence.sel $0x180000  }
0xb1: {  	[bflag:$0x0] =	sbarrier.arrive $0xFFFF  }
0xb2: {  	_ =	strace $0x9000004A  }
0xb3: {  	[bflag:$0x2] =	sbarrier.arrive $0xFFFF  }
0xb4: {  	s0 =	rddreg [dreg:$0x5]  }
0xb5: {  	s0 =	sadd.s32 @!p0 $0x100000, s0  }
0xb6: {  	[sflag:s0] =	ssyncadd.tile.s32 @!p0 $0x1;
	_ =	shalt  }
.Lfunc_end2:
_tile_overlayer_lowered:
.L_overlay_start_2:
0xb7: {  	(tag) =	ssettag $0x2  }
0xb8: {  	s0 =	rddreg [dreg:$0x0];
	s2 =	stileid.u32  }
0xb9: {  	s1 =	rddreg [dreg:$0x1];
	p0 =	sne.s32 s2, $0x0  }
0xba: {  	s3 =	rddreg [dreg:$0x2];
	[bflag:$0x3] =	sbarrier.arrive $0xFFFF;
	s2 =	simm.s32 @!p0 $0x1C02  }
0xbb: {  	[timem:s3], [sflag:s2] =	dma.local @!p0 [hbm:s0], s1  }
0xbc: {  	s0 =	simm.s32 @!p0 $0x2  }
0xbd: {  	_ =	swait.ge @!p0 [sflag:s0], s1  }
0xbe: {  	s1 =	ssub.s32 @!p0 $0x0, s1;
	[sflag:s0] =	ssyncset.done @!p0 $0x0  }
0xbf: {  	[sflag:s0] =	ssyncadd.s32 @!p0 s1  }
0xc0: {  	[bflag:$0x3] =	sbarrier.arrive $0xFFFF  }
0xc1: {  	_ =	shalt  }

// kernel: kernel.8.cloned.1.call-start
scs
__scs_entry_jumppad:
0x0: {  	(pc) =	sbr.rel $0x88, $3  }
0x1: {  	(tag) =	ssettag $0x0;
	lr =	simm.s32 $0x1  }
0x2: {  	[smem:$0x3F9C] =	sst lr;
	_ =	strace $0xD0000000  }
0x3: {  	_ = 	snop  }
0x4: {  	_ = 	snop  }
0x5: {  	_ = 	snop  }
0x6: {  	_ = 	snop  }
0x7: {  	_ = 	snop  }
__scs_overlays_trampoline_lowered:
0x8: {  	[smem:$0x3FAB] =	sst s0  }
0x9: {  	[smem:$0x3FAC] =	sst s1  }
0xa: {  	[smem:$0x3FAD] =	sst s2  }
0xb: {  	[smem:$0x3FAE] =	sst s3  }
0xc: {  	[smem:$0x3FAF] =	sst s4  }
0xd: {  	[smem:$0x3FB0] =	sst s5  }
0xe: {  	[smem:$0x3FB1] =	sst s6  }
0xf: {  	[smem:$0x3FB2] =	sst s7  }
0x10: {  	[smem:$0x3FB3] =	sst s8  }
0x11: {  	[smem:$0x3FB4] =	sst s9;
	s0 =	simm.s32 @!p0 $0x0  }
0x12: {  	s1 =	sld [smem:$0x3F9A];
	s0 =	simm.s32 @p0 $0x1  }
0x13: {  	[smem:$0x3FB5] =	sst s0;
	s0 =	simm.s32 @!p1 $0x0  }
0x14: {  	s2 =	sld [smem:$0x3F99];
	s0 =	simm.s32 @p1 $0x1  }
0x15: {  	[smem:$0x3FB6] =	sst s0;
	s0 =	simm.s32 @!p2 $0x0  }
0x16: {  	s3 =	sld [smem:$0x3FDB];
	s0 =	simm.s32 @p2 $0x1  }
0x17: {  	s4 =	simm.s32 $0x1BF5;
	[smem:$0x3FB8] =	sst s0  }
0x18: {  	s0 =	sld [smem:$0x3F9B];
	_ =	swait.ge [sflag:s4], $0x0  }
0x19: {  	s7 =	sld [smem:$0x3F9C]  }
0x1a: {  	s8 =	sadd.s32 $0xFFFFE003, lr  }
0x1b: {  	s9 =	sadd.s32 $0xFFFFFEF7, lr;
	s5 =	simm.s32 $0xFFFFFFFF;
	p2 =	slt.u32 s8, $0xFFFFF086  }
0x1c: {  	p1 =	slt.u32 s9, $0xF7A;
	s5 =	simm.s32 @!p2 $0x0  }
0x1d: {  	s5 =	simm.s32 @p1 $0x1;
	p0 =	seq.s32 s7, s2  }
0x1e: {  	s7 =	smul.u32 @!p0 $0xF7A, s2;
	p2 =	seq.s32 @!p0 s5, $0x0  }
0x1f: {  	s9 =	smul.u32 $0xF7A, s1;
	s8 =	simm.s32 @!p0 $0x1BF5;
	p2 =	por !p2, p0  }
0x20: {  	[sflag:s8] =	ssyncset.s32 @!p0 $0xFFFFF086;
	s6 =	sadd.s32 @!p0 s3, s7;
	s7 =	simm.s32 @!p0 $0x108  }
0x21: {  	s3 =	sadd.s32 s3, s9;
	s6 =	sadd.s32 @!p0 $0x88, s6;
	s7 =	simm.s32 @p2 $0x1082  }
0x22: {  	[simem:s7], [sflag:s8] =	dma.local @!p0 [hbm:s6], $0xF7A  }
0x23: {  	s9 =	sor.u32 $0xD0000000, s2;
	s6 =	simm.s32 $0x108;
	_ =	swait.ge @!p0 [sflag:s8], $0x0  }
0x24: {  	s3 =	sadd.s32 $0x88, s3;
	s6 =	simm.s32 @!p1 $0x1082;
	[sflag:s4] =	ssyncset.s32 $0xFFFFF086  }
0x25: {  	[simem:s6], [sflag:s4] =	dma.local [hbm:s3], $0xF7A  }
0x26: {  	[smem:$0x3F9C] =	sst s1;
	(tag) =	ssettag s2;
	_ =	strace s9  }
0x27: {  	s1 =	sld [smem:$0x3FAC]  }
0x28: {  	s2 =	sld [smem:$0x3FAD]  }
0x29: {  	s4 =	sld [smem:$0x3FAF]  }
0x2a: {  	p0 =	seq.s32 s5, $0x0;
	s5 =	sld [smem:$0x3FB0]  }
0x2b: {  	s6 =	sld [smem:$0x3FB1]  }
0x2c: {  	s7 =	sld [smem:$0x3FB2]  }
0x2d: {  	s3 =	simm.s32 $0x108;
	s8 =	sld [smem:$0x3FB3]  }
0x2e: {  	s3 =	simm.s32 @!p0 $0x1082;
	s9 =	sld [smem:$0x3FB4]  }
0x2f: {  	lr =	sadd.s32 s0, s3;
	s0 =	sld [smem:$0x3FAB]  }
0x30: {  	s3 =	sld [smem:$0x3FAE]  }
0x31: {  	[smem:$0x3FB7] =	sst s10  }
0x32: {  	s10 =	sld [smem:$0x3FB5];
	_ =	sdelay $0x3  }
0x33: {  	p0 =	seq.s32 s10, $0x1;
	s10 =	sld [smem:$0x3FB7];
	_ =	sdelay $0x3  }
0x34: {  	[smem:$0x3FB7] =	sst s10  }
0x35: {  	s10 =	sld [smem:$0x3FB6];
	_ =	sdelay $0x3  }
0x36: {  	p1 =	seq.s32 s10, $0x1;
	s10 =	sld [smem:$0x3FB7];
	_ =	sdelay $0x3  }
0x37: {  	[smem:$0x3FB7] =	sst s10  }
0x38: {  	s10 =	sld [smem:$0x3FB8]  }
0x39: {  	_ = 	snop;
	(pc) =	sbr.ind lr, $3  }
0x3a: {  	_ = 	snop  }
0x3b: {  	_ = 	snop  }
0x3c: {  	p2 =	seq.s32 s10, $0x1;
	s10 =	sld [smem:$0x3FB7]  }
0x3d: {  	_ =	shalt  }
0x3e: {  	_ =	shalt  }
0x3f: {  	_ =	shalt  }
0x40: {  	_ =	shalt  }
0x41: {  	_ =	shalt  }
0x42: {  	_ =	shalt  }
0x43: {  	_ =	shalt  }
0x44: {  	_ =	shalt  }
0x45: {  	_ =	shalt  }
0x46: {  	_ =	shalt  }
0x47: {  	_ =	shalt  }
0x48: {  	_ =	shalt  }
0x49: {  	_ =	shalt  }
0x4a: {  	_ =	shalt  }
0x4b: {  	_ =	shalt  }
0x4c: {  	_ =	shalt  }
0x4d: {  	_ =	shalt  }
0x4e: {  	_ =	shalt  }
0x4f: {  	_ =	shalt  }
0x50: {  	_ =	shalt  }
0x51: {  	_ =	shalt  }
0x52: {  	_ =	shalt  }
0x53: {  	_ =	shalt  }
0x54: {  	_ =	shalt  }
0x55: {  	_ =	shalt  }
0x56: {  	_ =	shalt  }
0x57: {  	_ =	shalt  }
0x58: {  	_ =	shalt  }
0x59: {  	_ =	shalt  }
0x5a: {  	_ =	shalt  }
0x5b: {  	_ =	shalt  }
0x5c: {  	_ =	shalt  }
0x5d: {  	_ =	shalt  }
0x5e: {  	_ =	shalt  }
0x5f: {  	_ =	shalt  }
0x60: {  	_ =	shalt  }
0x61: {  	_ =	shalt  }
0x62: {  	_ =	shalt  }
0x63: {  	_ =	shalt  }
0x64: {  	_ =	shalt  }
0x65: {  	_ =	shalt  }
0x66: {  	_ =	shalt  }
0x67: {  	_ =	shalt  }
0x68: {  	_ =	shalt  }
0x69: {  	_ =	shalt  }
0x6a: {  	_ =	shalt  }
0x6b: {  	_ =	shalt  }
0x6c: {  	_ =	shalt  }
0x6d: {  	_ =	shalt  }
0x6e: {  	_ =	shalt  }
0x6f: {  	_ =	shalt  }
0x70: {  	_ =	shalt  }
0x71: {  	_ =	shalt  }
0x72: {  	_ =	shalt  }
0x73: {  	_ =	shalt  }
0x74: {  	_ =	shalt  }
0x75: {  	_ =	shalt  }
0x76: {  	_ =	shalt  }
0x77: {  	_ =	shalt  }
0x78: {  	_ =	shalt  }
0x79: {  	_ =	shalt  }
0x7a: {  	_ =	shalt  }
0x7b: {  	_ =	shalt  }
0x7c: {  	_ =	shalt  }
0x7d: {  	_ =	shalt  }
0x7e: {  	_ =	shalt  }
0x7f: {  	_ =	shalt  }
0x80: {  	_ =	shalt  }
0x81: {  	_ =	shalt  }
0x82: {  	_ =	shalt  }
0x83: {  	_ =	shalt  }
0x84: {  	_ =	shalt  }
0x85: {  	_ =	shalt  }
0x86: {  	_ =	shalt  }
0x87: {  	_ =	shalt  }
.Lfunc_end0:
.L_simem_size_0:
called_computation_lowered:
.L_overlay_start_0:
0x88: {  	s2 =	sld [smem:$0x3FD9]  }
0x89: {  	s3 =	sld [smem:$0x3FFE];
	_ =	sdelay $0x1  }
0x8a: {  	s1 =	srdreg.scid  }
0x8b: {  	s0 =	sand.u32 $0x1, s1  }
0x8c: {  	s17 =	sshll.u32 s0, $0xA;
	s2 =	sadd.s32 s3, s2  }
0x8d: {  	s2 =	sadd.s32 s2, s17  }
0x8e: {  	[smem:$0x3FC3] =	sst s2  }
0x8f: {  	_ = 	snop  }
0x90: {  	s2 =	sld [smem:$0x3FC8]  }
0x91: {  	s18 =	sld [smem:$0x3FC7]  }
0x92: {  	s4 =	sld [smem:$0x3FD0];
	(tm) =	ssettm $0x1  }
0x93: {  	s5 =	sld [smem:$0x3FFB];
	_ =	sdelay $0x3  }
0x94: {  	_ =	strace s5  }
0x95: {  	s5 =	sld [smem:$0x3FFC];
	_ =	sdelay $0x3  }
0x96: {  	_ =	strace s5  }
0x97: {  	s5 =	sld [smem:$0x3FFD];
	_ =	sdelay $0x3  }
0x98: {  	_ =	strace s5  }
0x99: {  	_ =	strace $0x8FFFFFFF  }
0x9a: {  	s19 =	sld [smem:$0x3FDB];
	_ =	sdelay $0x1  }
0x9b: {  	s6 =	simm.s32 $_scs_section_size  }
0x9c: {  	s7 =	simm.s32 $_size__tile_overlayer_lowered;
	s8 =	simm.s32 $_tile_overlayer_lowered  }
0x9d: {  	s22 =	simm.s32 $0x1BFF;
	s21 =	sshll.u32 s8, $0x1;
	s5 =	sadd.s32 s6, s19  }
0x9e: {  	s9 =	simm.s32 $0x0;
	s20 =	sshll.u32 s7, $0x1;
	s7 =	sadd.s32 s21, s5  }
0x9f: {  	[timem:s9], [sflag:s22] =	dma.local [hbm:s7], s20  }
0xa0: {  	_ =	swait.ge [sflag:s22], s20  }
0xa1: {  	s6 =	ssub.s32 $0x0, s20;
	[sflag:s22] =	ssyncset.done $0x0  }
0xa2: {  	[sflag:s22] =	ssyncadd.s32 s6;
	_ =	sdelay $0x1  }
0xa3: {  	s23 =	simm.s32 $0x1B8B  }
0xa4: {  	_ =	swait.ge [sflag:s23], $0x1  }
0xa5: {  	[sflag:s23] =	ssyncset.done $0x0  }
0xa6: {  	s25 =	simm.s32 $0x1B8E;
	s24 =	sld [smem:$0x3FFE];
	[sflag:s23] =	ssyncadd.s32 $0xFFFFFFFF  }
0xa7: {  	s26 =	simm.s32 $execute0_lowered;
	[smem:$0x3FD2] =	sst s25  }
0xa8: {  	s7 =	sshll.u32 s26, $0x1;
	_ =	strace $0x80000046;
	[dreg:$0x1] =	wrdreg $0xFFFFFFFF  }
0xa9: {  	s28 =	simm.s32 $_size_execute0_lowered;
	s5 =	sadd.s32 s5, s7;
	[dreg:$0x0] =	wrdreg $0x0  }
0xaa: {  	s7 =	sshll.u32 s28, $0x1;
	[dreg:$0x2] =	wrdreg s5  }
0xab: {  	[dreg:$0x3] =	wrdreg s7  }
0xac: {  	[dreg:$0x4] =	wrdreg $0xC0  }
0xad: {  	_ =	task [dreg:s9], $0x5FFFF  }
0xae: {  	[dreg:$0x1] =	wrdreg $0xFFFFFFFF  }
0xaf: {  	[dreg:$0x0] =	wrdreg $0x60  }
0xb0: {  	[dreg:$0x2] =	wrdreg s4  }
0xb1: {  	[dreg:$0x3] =	wrdreg s2  }
0xb2: {  	[dreg:$0x4] =	wrdreg s18  }
0xb3: {  	[dreg:$0x5] =	wrdreg s24  }
0xb4: {  	[dreg:$0x6] =	wrdreg $0x52000  }
0xb5: {  	[dreg:$0x7] =	wrdreg $0x9  }
0xb6: {  	_ =	task.clear_ibuf [dreg:s9], $0x8FFFF;
	_ =	strace $0x90000046  }
0xb7: {  	s29 =	simm.s32 $0x9;
	_ =	strace $0x80000048  }
0xb8: {  	_ =	swait.ge [sflag:s29], $0x1  }
0xb9: {  	[sflag:s29] =	ssyncadd.s32 $0xFFFFFFFF  }
0xba: {  	_ =	strace $0x90000048  }
0xbb: {  	_ =	sfence  }
0xbc: {  	s30 =	sld [smem:$0x0];
	_ =	sdelay $0x2  }
0xbd: {  	s31 =	sshll.u32 s1, $0xD;
	s1 =	sshrl.u32 s1, $0x2  }
0xbe: {  	s3 =	sand.u32 $0x4000, s31;
	s1 =	sadd.s32 s1, s30  }
0xbf: {  	s0 =	sor.u32 s3, s0;
	s1 =	sshll.u32 s1, $0x11  }
0xc0: {  	s0 =	sor.u32 s1, s0  }
0xc1: {  	s0 =	sadd.s32 $0x8F2B, s0  }
0xc2: {  	[sflag:s0] =	ssyncadd.remote.s32 $0x1  }
0xc3: {  	_ =	sfence.sel $0xFFFF  }
0xc4: {  	[dreg:$0x0] =	wrdreg $0xFFFFFFFF;
	(pc) =	sbr.abs _section_cstart, $3  }
0xc5: {  	[dreg:$0x1] =	wrdreg $0xFFFFFFFF  }
0xc6: {  	_ =	task.clear_ibuf [dreg:s9], $0x2FFFF;
	_ =	strace $0x9FFFFFFF  }
0xc7: {  	(tm) =	ssettm $0x7FFFFFFF  }
tec
execute0_lowered:
.L_overlay_start_1:
0x0: {  	(tag) =	ssettag $0x1  }
0x1: {  	s0 =	rddreg [dreg:$0x0]  }
0x2: {  	s1 =	rddreg [dreg:$0x1]  }
0x3: {  	s4 =	rddreg [dreg:$0x2]  }
0x4: {  	s6 =	rddreg [dreg:$0x3];
	s21 =	stileid.u32  }
0x5: {  	s2 =	rddreg [dreg:$0x4];
	s9 =	smul.u32 $0x500, s21  }
0x6: {  	s3 =	srdreg.scid;
	s16 =	smul.u32 $0x270, s21  }
0x7: {  	s28 =	simm.s32 $0x50;
	s29 =	simm.s32 $0x1;
	s11 =	smul.u32 $0x4E000, s21  }
0x8: {  	s30 =	simm.s32 $0x180;
	s7 =	sand.u32 $0x1, s3;
	s13 =	smul.u32 $0xA000, s21  }
0x9: {  	s3 =	simm.s32 $0x0;
	s5 =	sadd.s32 $0x3400, s6;
	s20 =	smul.u32 $0x5A000, s21  }
0xa: {  	s10 =	sadd.s32 $0xD600, s6;
	s23 =	sadd.s32 $0x138000, s2;
	s26 =	smul.u32 $0x9C4, s21  }
0xb: {  	p0 =	sne.s32 s21, $0x0;
	s21 =	simm.s32 $0x200;
	s8 =	smul.u32 $0x5000, s7  }
0xc: {  	[smem:$0x7FF] =	sst s3;
	s31 =	smul.u32 $0x2710, s7;
	s17 =	ssub.s32 $0x2, s7  }
0xd: {  	s7 =	smul.u32 $0x138800, s7;
	s23 =	sshrl.u32 @!p0 s23, $0x3;
	_ =	strace $0x80000047  }
0xe: {  	s12 =	sshrl.u32 s17, $0x1;
	s11 =	sshrl.u32 s11, $0x2;
	s19 =	sshrl.u32 s13, $0x2  }
0xf: {  	s25 =	sshrl.u32 s20, $0x2;
	s20 =	sadd.s32 s26, s1;
	s1 =	simm.s32 $0x100  }
0x10: {  	s8 =	sadd.s32 s9, s8;
	s9 =	sadd.s32 s16, s31;
	s12 =	ssub.s32 s17, s12  }
0x11: {  	s22 =	sadd.s32 s11, s2;
	s7 =	sshrl.u32 s7, $0x3;
	v0 =	vmov s31;
	s31 =	simm.s32 $0x2A00  }
0x12: {  	s6 =	sadd.s32 s8, s6;
	s9 =	sshll.u32 s9, $0x4;
	s7 =	sadd.s32 s10, s7  }
0x13: {  	s8 =	sadd.s32 s19, s2;
	s19 =	sadd.s32 s26, s4;
	s22 =	sshrl.u32 s22, $0x3  }
0x14: {  	s26 =	simm.s32 $0x80;
	s4 =	simm.s32 $0x0;
	s18 =	sadd.s32 s10, s9  }
0x15: {  	s7 =	sadd.s32 $0x27000, s7;
	s24 =	sadd.s32 $0x140000, s8;
	[dreg:$0x6] =	wrdreg s18  }
0x16: {  	s6 =	sadd.s32 $0x3600, s6;
	s9 =	smax.u32 s12, $0x1;
	[dreg:$0x7] =	wrdreg s7  }
0x17: {  	s10 =	sadd.s32 s25, s2;
	s25 =	simm.s32 $0x2;
	[dreg:$0x8] =	wrdreg s6  }
0x18: {  	s11 =	sadd.s32 $0x2800, s10;
	s12 =	sadd.s32 $0x5000, s10;
	s13 =	sadd.s32 $0x7800, s10  }
0x19: {  	s14 =	sadd.s32 $0xA000, s10;
	s15 =	sadd.s32 $0xC800, s10;
	s16 =	sadd.s32 $0xF000, s10  }
0x1a: {  	v1 =	vimm.f32 $0.0e+00;
	s17 =	sadd.s32 $0x11800, s10;
	s18 =	sadd.s32 $0x14000, s10;
	s24 =	sshrl.u32 s24, $0x3  }
.LBB2_1:
0x1b: {  	s6 =	simm.s32 $0x0;
	s7 =	simm.s32 $0x200  }
.LBB2_2:
0x1c: {  	p1 =	sne.s32 s7, $0x9E00;
	[tilespmem:s6+$0x270] =	vst v1  }
0x1d: {  	[tilespmem:s6+$0x200] =	vst v1  }
0x1e: {  	[tilespmem:s6+$0x210] =	vst v1  }
.Ltmp0:
0x1f: {  	[tilespmem:s6+$0x220] =	vst v1;
	(pc) =	sbr.rel @p1 .LBB2_2-.Ltmp0, $4  }
0x20: {  	[tilespmem:s6+$0x230] =	vst v1  }
0x21: {  	[tilespmem:s6+$0x240] =	vst v1  }
0x22: {  	[tilespmem:s6+$0x250] =	vst v1  }
0x23: {  	[tilespmem:s6+$0x260] =	vst v1;
	s6 =	sshra.s32 s7, $0x2;
	s7 =	sadd.s32 $0x200, s7  }
0x24: {  	[tilespmem:s6+$0x270] =	vst v1  }
0x25: {  	[tilespmem:s6+$0x200] =	vst v1  }
0x26: {  	[tilespmem:s6+$0x210] =	vst v1  }
0x27: {  	[tilespmem:s6+$0x220] =	vst v1  }
0x28: {  	[tilespmem:s6+$0x230] =	vst v1  }
0x29: {  	[tilespmem:s6+$0x240] =	vst v1  }
0x2a: {  	[tilespmem:s6+$0x250] =	vst v1  }
0x2b: {  	[tilespmem:s6+$0x260] =	vst v1  }
0x2c: {  	[spmem:s10] =	stream.linear.scatter [tilespmem:s21], [sflag:$0x2], $0x2800, $0x38;
	[tilespmem:$0x1BA00] =	vst v63  }
0x2d: {  	_ =	swait.ge [sflag:s25], $0x2800  }
0x2e: {  	[sflag:s25] =	ssyncset.done $0x0  }
0x2f: {  	[sflag:s25] =	ssyncadd.s32 $0xFFFFD800  }
0x30: {  	[spmem:s11] =	stream.linear.scatter [tilespmem:s21], [sflag:$0x2], $0x2800, $0x38;
	[tilespmem:$0x1BA00] =	vst v63  }
0x31: {  	_ =	swait.ge [sflag:s25], $0x2800  }
0x32: {  	[sflag:s25] =	ssyncset.done $0x0  }
0x33: {  	[sflag:s25] =	ssyncadd.s32 $0xFFFFD800  }
0x34: {  	[spmem:s12] =	stream.linear.scatter [tilespmem:s21], [sflag:$0x2], $0x2800, $0x38;
	[tilespmem:$0x1BA00] =	vst v63  }
0x35: {  	_ =	swait.ge [sflag:s25], $0x2800  }
0x36: {  	[sflag:s25] =	ssyncset.done $0x0  }
0x37: {  	[sflag:s25] =	ssyncadd.s32 $0xFFFFD800  }
0x38: {  	[spmem:s13] =	stream.linear.scatter [tilespmem:s21], [sflag:$0x2], $0x2800, $0x38;
	[tilespmem:$0x1BA00] =	vst v63  }
0x39: {  	_ =	swait.ge [sflag:s25], $0x2800  }
0x3a: {  	[sflag:s25] =	ssyncset.done $0x0  }
0x3b: {  	[sflag:s25] =	ssyncadd.s32 $0xFFFFD800  }
0x3c: {  	[spmem:s14] =	stream.linear.scatter [tilespmem:s21], [sflag:$0x2], $0x2800, $0x38;
	[tilespmem:$0x1BA00] =	vst v63  }
0x3d: {  	_ =	swait.ge [sflag:s25], $0x2800  }
0x3e: {  	[sflag:s25] =	ssyncset.done $0x0  }
0x3f: {  	[sflag:s25] =	ssyncadd.s32 $0xFFFFD800  }
0x40: {  	[spmem:s15] =	stream.linear.scatter [tilespmem:s21], [sflag:$0x2], $0x2800, $0x38;
	[tilespmem:$0x1BA00] =	vst v63  }
0x41: {  	_ =	swait.ge [sflag:s25], $0x2800  }
0x42: {  	[sflag:s25] =	ssyncset.done $0x0  }
0x43: {  	[sflag:s25] =	ssyncadd.s32 $0xFFFFD800  }
0x44: {  	[spmem:s16] =	stream.linear.scatter [tilespmem:s21], [sflag:$0x2], $0x2800, $0x38;
	[tilespmem:$0x1BA00] =	vst v63  }
0x45: {  	_ =	swait.ge [sflag:s25], $0x2800  }
0x46: {  	[sflag:s25] =	ssyncset.done $0x0  }
0x47: {  	[sflag:s25] =	ssyncadd.s32 $0xFFFFD800  }
0x48: {  	[spmem:s17] =	stream.linear.scatter [tilespmem:s21], [sflag:$0x2], $0x2800, $0x38;
	[tilespmem:$0x1BA00] =	vst v63  }
0x49: {  	_ =	swait.ge [sflag:s25], $0x2800  }
0x4a: {  	[sflag:s25] =	ssyncset.done $0x0  }
0x4b: {  	[sflag:s25] =	ssyncadd.s32 $0xFFFFD800  }
0x4c: {  	[spmem:s18] =	stream.linear.scatter [tilespmem:s21], [sflag:$0x2], $0x2800, $0x38;
	[tilespmem:$0x1BA00] =	vst v63  }
0x4d: {  	_ =	swait.ge [sflag:s25], $0x2800  }
0x4e: {  	[sflag:s25] =	ssyncset.done $0x0  }
0x4f: {  	[sflag:s25] =	ssyncadd.s32 $0xFFFFD800  }
0x50: {  	s7 =	sadd.s32 $0x0, s20;
	[bflag:$0x0] =	sbarrier.arrive $0xFFFF  }
0x51: {  	[tilespmem:s3], [sflag:$0x2] =	stream.linear.gather [hbm4b:s7+s3], $0x50, $0x38;
	[tilespmem:$0x1BA00] =	vst v63  }
0x52: {  	_ =	swait.ge [sflag:s25], $0x50  }
0x53: {  	[sflag:s25] =	ssyncset.done $0x0  }
0x54: {  	s8 =	sadd.s32 $0x0, s19;
	[sflag:s25] =	ssyncadd.s32 $0xFFFFFFB0  }
0x55: {  	[tilespmem:s26], [sflag:$0x2] =	stream.linear.gather [hbm4b:s8+s3], $0x50, $0x38;
	[tilespmem:$0x1BA00] =	vst v63  }
0x56: {  	_ =	swait.ge [sflag:s25], $0x50  }
0x57: {  	[sflag:s25] =	ssyncset.done $0x0  }
0x58: {  	[sflag:s25] =	ssyncadd.s32 $0xFFFFFFB0  }
0x59: {  	v2 =	vld [tilespmem:$0xC0]  }
0x5a: {  	v3 =	vld [tilespmem:$0xB0]  }
0x5b: {  	v4 =	vld [tilespmem:$0xA0]  }
0x5c: {  	v5 =	vld [tilespmem:$0x80];
	_ =	sdelay $0x1  }
0x5d: {  	v2 =	vsub.s32 v2, v0  }
0x5e: {  	v3 =	vsub.s32 v3, v0;
	v2 =	vmin.u32 v2, $0x2710  }
0x5f: {  	v4 =	vsub.s32 v4, v0;
	v3 =	vmin.u32 v3, $0x2710;
	[tilespmem:$0xC0] =	vst v2  }
0x60: {  	v5 =	vsub.s32 v5, v0;
	v4 =	vmin.u32 v4, $0x2710;
	[tilespmem:$0xB0] =	vst v3  }
0x61: {  	v5 =	vmin.u32 v5, $0x2710;
	[tilespmem:$0xA0] =	vst v4  }
0x62: {  	v7 =	vand.u32 $0x7, v3;
	[tilespmem:$0x80] =	vst v5  }
0x63: {  	v6 =	vld [tilespmem:$0x90];
	v8 =	vand.u32 $0x7, v5;
	[tilespmem:$0x1B0] =	vst v7  }
0x64: {  	v3 =	vshrl.u32 v3, $0x3;
	v62 =	vshrl.u32 v2, $0x3;
	v2 =	vand.u32 $0x7, v2;
	[tilespmem:$0x180] =	vst v8  }
0x65: {  	v3 =	vor.u32 $0x2800, v3;
	[tilespmem:$0x1C0] =	vst v2  }
0x66: {  	v5 =	vshrl.u32 v5, $0x3;
	v2 =	vand.u32 $0x7, v4;
	[tilespmem:$0x130] =	vst v3  }
0x67: {  	v63 =	vor.u32 $0x2800, v5;
	[tilespmem:$0x1A0] =	vst v2  }
0x68: {  	v6 =	vsub.s32 v6, v0;
	v3 =	vor.u32 $0x2800, v62;
	[tilespmem:$0x100] =	vst v63  }
0x69: {  	v2 =	vshrl.u32 v4, $0x3;
	[tilespmem:$0x140] =	vst v3;
	v3 =	vmin.u32 v6, $0x2710  }
0x6a: {  	v2 =	vor.u32 $0x2800, v2;
	[tilespmem:$0x90] =	vst v3  }
0x6b: {  	v6 =	vand.u32 $0x7, v3;
	v3 =	vshrl.u32 v3, $0x3;
	[tilespmem:$0x120] =	vst v2  }
0x6c: {  	[tilespmem:$0x190] =	vst v6;
	v3 =	vor.u32 $0x2800, v3  }
0x6d: {  	[tilespmem:$0x110] =	vst v3  }
0x6e: {  	[tilespmem:s21], [sflag:$0x1] =	stream.indirect.gather [hbm4b:s0+s28], $0x80, s3, s28, $0xb8;
	[tilespmem:$0x1BA00] =	vst v63  }
0x6f: {  	_ =	swait.ge [sflag:s29], $0x2800  }
0x70: {  	s6 =	simm.s32 $0xA;
	[sflag:s29] =	ssyncset.done $0x0  }
.LBB2_4:
0x71: {  	p1 =	sne.s32 s6, $0x9BA  }
0x72: {  	[sflag:s29] =	ssyncadd.s32 $0xFFFFD800;
	s7 =	smov.u32 s6;
	s6 =	sadd.s32 $0xA, s6  }
0x73: {  	[spmem:s2] =	stream.indirect.scatter.add.f32 [tilespmem:s21], [sflag:$0x2], $0x80, s26, s28, $0xb8;
	[tilespmem:$0x1BA00] =	vst v63  }
0x74: {  	_ =	swait.ge [sflag:s25], $0x2800  }
0x75: {  	[sflag:s25] =	ssyncset.done $0x0  }
0x76: {  	[sflag:s25] =	ssyncadd.s32 $0xFFFFD800  }
0x77: {  	[tilespmem:s31], [sflag:$0x1] =	stream.indirect.gather [hbm4b:s5+s28], $0x80, s30, s28, $0xb8;
	[tilespmem:$0x1BA00] =	vst v63  }
0x78: {  	_ =	swait.ge [sflag:s29], $0x2800  }
0x79: {  	[sflag:s29] =	ssyncset.done $0x0  }
0x7a: {  	[sflag:s29] =	ssyncadd.s32 $0xFFFFD800  }
0x7b: {  	[spmem:s2] =	stream.indirect.scatter.add.f32 [tilespmem:s31], [sflag:$0x2], $0x80, s1, s28, $0xb8;
	[tilespmem:$0x1BA00] =	vst v63  }
0x7c: {  	_ =	swait.ge [sflag:s25], $0x2800  }
0x7d: {  	[sflag:s25] =	ssyncset.done $0x0  }
0x7e: {  	s8 =	sadd.s32 s7, s20;
	[sflag:s25] =	ssyncadd.s32 $0xFFFFD800  }
0x7f: {  	[tilespmem:s3], [sflag:$0x2] =	stream.linear.gather [hbm4b:s8+s3], $0x50, $0x38;
	[tilespmem:$0x1BA00] =	vst v63  }
0x80: {  	_ =	swait.ge [sflag:s25], $0x50  }
0x81: {  	[sflag:s25] =	ssyncset.done $0x0  }
0x82: {  	s7 =	sadd.s32 s7, s19;
	[sflag:s25] =	ssyncadd.s32 $0xFFFFFFB0  }
0x83: {  	[tilespmem:s26], [sflag:$0x2] =	stream.linear.gather [hbm4b:s7+s3], $0x50, $0x38;
	[tilespmem:$0x1BA00] =	vst v63  }
0x84: {  	_ =	swait.ge [sflag:s25], $0x50  }
0x85: {  	[sflag:s25] =	ssyncset.done $0x0  }
0x86: {  	[sflag:s25] =	ssyncadd.s32 $0xFFFFFFB0  }
0x87: {  	v2 =	vld [tilespmem:$0xC0]  }
0x88: {  	v3 =	vld [tilespmem:$0xB0]  }
0x89: {  	v4 =	vld [tilespmem:$0xA0]  }
0x8a: {  	v5 =	vld [tilespmem:$0x80]  }
0x8b: {  	v6 =	vld [tilespmem:$0x90]  }
0x8c: {  	v2 =	vsub.s32 v2, v0  }
0x8d: {  	v3 =	vsub.s32 v3, v0;
	v2 =	vmin.u32 v2, $0x2710  }
0x8e: {  	v4 =	vsub.s32 v4, v0;
	v3 =	vmin.u32 v3, $0x2710;
	[tilespmem:$0xC0] =	vst v2;
	v7 =	vshrl.u32 v2, $0x3  }
0x8f: {  	v5 =	vsub.s32 v5, v0;
	v4 =	vmin.u32 v4, $0x2710;
	[tilespmem:$0xB0] =	vst v3;
	v8 =	vand.u32 $0x7, v3  }
0x90: {  	v3 =	vshrl.u32 v3, $0x3;
	v5 =	vmin.u32 v5, $0x2710;
	[tilespmem:$0xA0] =	vst v4;
	v9 =	vshrl.u32 v4, $0x3  }
0x91: {  	v3 =	vor.u32 $0x2800, v3;
	[tilespmem:$0x80] =	vst v5;
	v10 =	vshrl.u32 v5, $0x3;
	v5 =	vand.u32 $0x7, v5  }
0x92: {  	v6 =	vsub.s32 v6, v0;
	v9 =	vor.u32 $0x2800, v9;
	v10 =	vor.u32 $0x2800, v10;
	[tilespmem:$0x1B0] =	vst v8  }
0x93: {  	v4 =	vand.u32 $0x7, v4;
	v6 =	vmin.u32 v6, $0x2710;
	[tilespmem:$0x130] =	vst v3;
	v3 =	vor.u32 $0x2800, v7  }
0x94: {  	v2 =	vand.u32 $0x7, v2;
	v7 =	vand.u32 $0x7, v6;
	[tilespmem:$0x180] =	vst v5;
	v5 =	vshrl.u32 v6, $0x3  }
0x95: {  	v5 =	vor.u32 $0x2800, v5;
	[tilespmem:$0x140] =	vst v3  }
0x96: {  	[tilespmem:$0x1C0] =	vst v2  }
0x97: {  	[tilespmem:$0x90] =	vst v6  }
0x98: {  	[tilespmem:$0x1A0] =	vst v4  }
0x99: {  	[tilespmem:$0x190] =	vst v7  }
0x9a: {  	[tilespmem:$0x100] =	vst v10  }
.Ltmp1:
0x9b: {  	[tilespmem:$0x120] =	vst v9;
	(pc) =	sbr.rel @p1 .LBB2_4-.Ltmp1, $4  }
0x9c: {  	[tilespmem:$0x110] =	vst v5  }
0x9d: {  	[tilespmem:s21], [sflag:$0x1] =	stream.indirect.gather [hbm4b:s0+s28], $0x80, s3, s28, $0xb8;
	[tilespmem:$0x1BA00] =	vst v63  }
0x9e: {  	_ =	swait.ge [sflag:s29], $0x2800  }
0x9f: {  	[sflag:s29] =	ssyncset.done $0x0  }
0xa0: {  	[sflag:s29] =	ssyncadd.s32 $0xFFFFD800  }
0xa1: {  	[spmem:s2] =	stream.indirect.scatter.add.f32 [tilespmem:s21], [sflag:$0x2], $0x80, s26, s28, $0xb8;
	[tilespmem:$0x1BA00] =	vst v63  }
0xa2: {  	_ =	swait.ge [sflag:s25], $0x2800  }
0xa3: {  	[sflag:s25] =	ssyncset.done $0x0  }
0xa4: {  	[sflag:s25] =	ssyncadd.s32 $0xFFFFD800  }
0xa5: {  	[tilespmem:s31], [sflag:$0x1] =	stream.indirect.gather [hbm4b:s5+s28], $0x80, s30, s28, $0xb8;
	[tilespmem:$0x1BA00] =	vst v63  }
0xa6: {  	_ =	swait.ge [sflag:s29], $0x2800  }
0xa7: {  	[sflag:s29] =	ssyncset.done $0x0  }
0xa8: {  	[sflag:s29] =	ssyncadd.s32 $0xFFFFD800  }
0xa9: {  	[spmem:s2] =	stream.indirect.scatter.add.f32 [tilespmem:s31], [sflag:$0x2], $0x80, s1, s28, $0xb8;
	[tilespmem:$0x1BA00] =	vst v63  }
0xaa: {  	_ =	swait.ge [sflag:s25], $0x2800  }
0xab: {  	[sflag:s25] =	ssyncset.done $0x0  }
0xac: {  	s6 =	stileid.u32;
	[sflag:s25] =	ssyncadd.s32 $0xFFFFD800  }
0xad: {  	s6 =	sshll.u32 s6, $0x6;
	[bflag:$0x0] =	sbarrier.arrive $0xFFFF  }
0xae: {  	s6 =	sor.u32 $0x1C02, s6;
	s7 =	rddreg [dreg:$0x6]  }
0xaf: {  	[hbm:s7], [sflag:s6] =	dma.local [spmem:s22], $0x2700  }
0xb0: {  	_ =	swait.ge [sflag:s25], $0x2700  }
0xb1: {  	[sflag:s25] =	ssyncset.done $0x0  }
0xb2: {  	s7 =	rddreg [dreg:$0x7];
	[sflag:s25] =	ssyncadd.s32 $0xFFFFD900  }
0xb3: {  	[hbm:s7], [sflag:s6] =	dma.local @!p0 [spmem:s23], $0x100  }
0xb4: {  	s7 =	simm.s32 @!p0 $0x2  }
0xb5: {  	s4 =	sadd.s32 $0x1, s4;
	_ =	swait.ge @!p0 [sflag:s7], $0x100  }
0xb6: {  	p1 =	sne.s32 s4, s9;
	[sflag:s7] =	ssyncset.done @!p0 $0x0  }
.Ltmp2:
0xb7: {  	s8 =	rddreg [dreg:$0x8];
	[sflag:s7] =	ssyncadd.s32 @!p0 $0xFFFFFF00;
	(pc) =	sbr.rel @p1 .LBB2_1-.Ltmp2, $4  }
0xb8: {  	[hbm:s8], [sflag:s6] =	dma.local [spmem:s24], $0x500  }
0xb9: {  	_ =	swait.ge [sflag:s25], $0x500  }
0xba: {  	[sflag:s25] =	ssyncset.done $0x0  }
0xbb: {  	[sflag:s25] =	ssyncadd.s32 $0xFFFFFB00  }
0xbc: {  	_ =	sfence.sel $0x180000  }
0xbd: {  	[bflag:$0x0] =	sbarrier.arrive $0xFFFF  }
0xbe: {  	_ =	strace $0x90000047  }
0xbf: {  	[bflag:$0x2] =	sbarrier.arrive $0xFFFF  }
0xc0: {  	s0 =	rddreg [dreg:$0x5]  }
0xc1: {  	s0 =	sadd.s32 @!p0 $0x100000, s0  }
0xc2: {  	[sflag:s0] =	ssyncadd.tile.s32 @!p0 $0x1;
	_ =	shalt  }
.Lfunc_end2:
_tile_overlayer_lowered:
.L_overlay_start_2:
0xc3: {  	(tag) =	ssettag $0x2  }
0xc4: {  	s0 =	rddreg [dreg:$0x0];
	s2 =	stileid.u32  }
0xc5: {  	s1 =	rddreg [dreg:$0x1];
	p0 =	sne.s32 s2, $0x0  }
0xc6: {  	s3 =	rddreg [dreg:$0x2];
	[bflag:$0x3] =	sbarrier.arrive $0xFFFF;
	s2 =	simm.s32 @!p0 $0x1C02  }
0xc7: {  	[timem:s3], [sflag:s2] =	dma.local @!p0 [hbm:s0], s1  }
0xc8: {  	s0 =	simm.s32 @!p0 $0x2  }
0xc9: {  	_ =	swait.ge @!p0 [sflag:s0], s1  }
0xca: {  	s1 =	ssub.s32 @!p0 $0x0, s1;
	[sflag:s0] =	ssyncset.done @!p0 $0x0  }
0xcb: {  	[sflag:s0] =	ssyncadd.s32 @!p0 s1  }
0xcc: {  	[bflag:$0x3] =	sbarrier.arrive $0xFFFF  }
0xcd: {  	_ =	shalt  }

</sc_bundles>
